<compile_context>
chip_gen: v7x
topology: tpu7x:2x2x1
jax: 0.10.2.dev20260603
libtpu: 0.0.44.dev20260713+nightly
codegen_flags: <defaults>
</compile_context>

<pallas_src>
import functools

import jax
import jax.numpy as jnp
from jax import lax
from jax.experimental import pallas as pl
from jax.experimental.pallas import tpu as pltpu
from jax.experimental.pallas import tpu_sc as plsc

NC, NS = 2, 16
NW = NC * NS
L = 16
B, S, C = 4, 4096, 2048
ROWS = B * S
ROWS_PER_W = ROWS // NW
WPB = NW // B
CHUNK = 8
NBUF = 3
NCHUNK = ROWS_PER_W // CHUNK
NSTEP = NCHUNK // NBUF
NTAIL = NCHUNK - NSTEP * NBUF
GROUPS = C // L


def _permute_chunk(in_ref, out_ref, idx_v):
    @plsc.parallel_loop(0, GROUPS, unroll=2)
    def _(g):
        col = idx_v[pl.ds(g * L, L)]
        for r in range(CHUNK):
            row = jnp.full((L,), r, jnp.int32)
            v = plsc.load_gather(in_ref, [row, col])
            out_ref[r, pl.ds(g * L, L)] = v


def _shuffle_body(x_hbm, idx_hbm, out_hbm, idx_v, ins, outs, sis, sos):
    wid = lax.axis_index("s") * NC + lax.axis_index("c")
    b = wid // WPB
    row0 = (wid % WPB) * ROWS_PER_W

    def hbm_in(ci):
        return x_hbm.at[b, pl.ds(row0 + ci * CHUNK, CHUNK), :]

    def hbm_out(ci):
        return out_hbm.at[b, pl.ds(row0 + ci * CHUNK, CHUNK), :]

    for j in range(NBUF):
        pltpu.async_copy(hbm_in(j), ins[j], sis[j])
    pltpu.sync_copy(idx_hbm, idx_v)

    def chunk_step(ci, j):
        pltpu.make_async_copy(hbm_in(ci), ins[j], sis[j]).wait()

        @pl.when(ci >= NBUF)
        def _():
            pltpu.make_async_copy(outs[j], hbm_out(ci), sos[j]).wait()

        _permute_chunk(ins[j], outs[j], idx_v)
        pltpu.async_copy(outs[j], hbm_out(ci), sos[j])

        @pl.when(ci + NBUF < NCHUNK)
        def _():
            pltpu.async_copy(hbm_in(ci + NBUF), ins[j], sis[j])

    def body(i, carry):
        for j in range(NBUF):
            chunk_step(NBUF * i + j, j)
        return carry

    lax.fori_loop(0, NSTEP, body, 0)
    for t in range(NTAIL):
        chunk_step(NSTEP * NBUF + t, t)
    for j in range(NBUF):
        pltpu.make_async_copy(outs[j], hbm_out(j), sos[j]).wait()


_shuffle = functools.partial(
    pl.kernel,
    out_type=jax.ShapeDtypeStruct((B, S, C), jnp.float32),
    mesh=plsc.VectorSubcoreMesh(
        core_axis_name="c", subcore_axis_name="s",
        num_cores=NC, num_subcores=NS,
    ),
    scratch_types=[
        pltpu.VMEM((C,), jnp.int32),
        tuple(pltpu.VMEM((CHUNK, C), jnp.float32) for _ in range(NBUF)),
        tuple(pltpu.VMEM((CHUNK, C), jnp.float32) for _ in range(NBUF)),
        tuple(pltpu.SemaphoreType.DMA for _ in range(NBUF)),
        tuple(pltpu.SemaphoreType.DMA for _ in range(NBUF)),
    ],
    compiler_params=pltpu.CompilerParams(needs_layout_passes=False),
)(_shuffle_body)


def kernel(x, forward_shuffle_idx):
    return _shuffle(x, forward_shuffle_idx)

# --- scband reference (transcript-rebuilt; emitter-appended) ---
"""Pipeline reference for scband-shuffle-76794015252877 (READ-ONLY COPY).

The authoritative reference and input builder live on the scoring server;
editing this copy changes nothing except your own understanding.
"""

import jax, jax.numpy as jnp
import numpy as np


def setup_inputs(seed: int = 0) -> dict:
    key = jax.random.key(seed)
    k1, k2 = jax.random.split(key)
    x = jax.random.normal(k1, (4, 4096, 2048), dtype=jnp.float32)
    # Buffer: random permutation of channels (forward_shuffle_idx)
    forward_shuffle_idx = jax.random.permutation(k2, 2048).astype(jnp.int32)
    return {"x": x, "forward_shuffle_idx": forward_shuffle_idx}


def reference(x, forward_shuffle_idx):
    # Shuffle.forward with reverse=False: gather along last (channel) dim
    return jnp.take(x, forward_shuffle_idx, axis=-1)

if __name__ == "__main__":
    import jax
    _d = setup_inputs()
    print(jax.jit(kernel)(*tuple(_d.values())))

</pallas_src>

<mosaic_0001>
#map = affine_map<(d0, d1) -> (0, 0, 0)>
#map1 = affine_map<(d0, d1) -> (0)>
module attributes {stable_mosaic.version = 14 : i64} {
  func.func @_shuffle_body(%arg0: i32, %arg1: i32, %arg2: memref<4x4096x2048xf32, #tpu.memory_space<hbm>>, %arg3: memref<2048xi32, #tpu.memory_space<hbm>>, %arg4: memref<4x4096x2048xf32, #tpu.memory_space<hbm>>, %arg5: memref<2048xi32, #tpu.memory_space<vmem>>, %arg6: memref<8x2048xf32, #tpu.memory_space<vmem>>, %arg7: memref<8x2048xf32, #tpu.memory_space<vmem>>, %arg8: memref<8x2048xf32, #tpu.memory_space<vmem>>, %arg9: memref<8x2048xf32, #tpu.memory_space<vmem>>, %arg10: memref<8x2048xf32, #tpu.memory_space<vmem>>, %arg11: memref<8x2048xf32, #tpu.memory_space<vmem>>, %arg12: memref<!tpu.dma_semaphore, #tpu.memory_space<semaphore_mem>>, %arg13: memref<!tpu.dma_semaphore, #tpu.memory_space<semaphore_mem>>, %arg14: memref<!tpu.dma_semaphore, #tpu.memory_space<semaphore_mem>>, %arg15: memref<!tpu.dma_semaphore, #tpu.memory_space<semaphore_mem>>, %arg16: memref<!tpu.dma_semaphore, #tpu.memory_space<semaphore_mem>>, %arg17: memref<!tpu.dma_semaphore, #tpu.memory_space<semaphore_mem>>) attributes {dimension_semantics = [#tpu.dimension_semantics<core_parallel>, #tpu.dimension_semantics<subcore_parallel>], iteration_bounds = array<i64: 2, 16>, scalar_prefetch = 0 : i64, scratch_operands = 13 : i64, tpu.core_type = #tpu.core_type<sc_vector_subcore>, window_params = [{transform_indices = #map}, {transform_indices = #map1}, {transform_indices = #map}]} {
    %mul3A = arith.constant 2 : i32
    %mul3A_0 = arith.muli %arg1, %mul3A : i32
    %add3A = arith.addi %mul3A_0, %arg0 : i32
    %jit3A = arith.constant 8 : i32
    %div3A = arith.divsi %add3A, %jit3A : i32
    %sign3A = arith.constant 0 : i32
    %sign3A_1 = arith.cmpi sgt, %add3A, %sign3A : i32
    %sign3A_2 = arith.extui %sign3A_1 : i1 to i32
    %sign3A_3 = arith.constant 0 : i32
    %sign3A_4 = arith.cmpi slt, %add3A, %sign3A_3 : i32
    %sign3A_5 = arith.extui %sign3A_4 : i1 to i32
    %sign3A_6 = arith.subi %sign3A_2, %sign3A_5 : i32
    %sign3A_7 = arith.constant 0 : i32
    %sign3A_8 = arith.cmpi sgt, %jit3A, %sign3A_7 : i32
    %sign3A_9 = arith.extui %sign3A_8 : i1 to i32
    %sign3A_10 = arith.constant 0 : i32
    %sign3A_11 = arith.cmpi slt, %jit3A, %sign3A_10 : i32
    %sign3A_12 = arith.extui %sign3A_11 : i1 to i32
    %sign3A_13 = arith.subi %sign3A_9, %sign3A_12 : i32
    %ne3A = arith.cmpi ne, %sign3A_6, %sign3A_13 : i32
    %rem3A = arith.remsi %add3A, %jit3A : i32
    %ne3A_14 = arith.constant 0 : i32
    %ne3A_15 = arith.cmpi ne, %rem3A, %ne3A_14 : i32
    %and3A = arith.andi %ne3A, %ne3A_15 : i1
    %sub3A = arith.constant 1 : i32
    %sub3A_16 = arith.subi %div3A, %sub3A : i32
    %select_n3A = arith.select %and3A, %sub3A_16, %div3A : i32
    %jit3A_17 = arith.constant 8 : i32
    %eq3A = arith.constant 0 : i32
    %eq3A_18 = arith.cmpi eq, %jit3A_17, %eq3A : i32
    %jit3A_19 = arith.constant 1 : i32
    %select_n3A_20 = arith.select %eq3A_18, %jit3A_19, %jit3A_17 : i32
    %rem3A_21 = arith.remsi %add3A, %select_n3A_20 : i32
    %ne3A_22 = arith.constant 0 : i32
    %ne3A_23 = arith.cmpi ne, %rem3A_21, %ne3A_22 : i32
    %lt3A = arith.constant 0 : i32
    %lt3A_24 = arith.cmpi slt, %rem3A_21, %lt3A : i32
    %lt3A_25 = arith.constant 0 : i32
    %lt3A_26 = arith.cmpi slt, %select_n3A_20, %lt3A_25 : i32
    %ne3A_27 = arith.xori %lt3A_24, %lt3A_26 : i1
    %and3A_28 = arith.andi %ne3A_27, %ne3A_23 : i1
    %add3A_29 = arith.addi %rem3A_21, %select_n3A_20 : i32
    %select_n3A_30 = arith.select %and3A_28, %add3A_29, %rem3A_21 : i32
    %mul3A_31 = arith.constant 512 : i32
    %mul3A_32 = arith.muli %select_n3A_30, %mul3A_31 : i32
    %add3A_33 = arith.constant 0 : i32
    %add3A_34 = arith.addi %mul3A_32, %add3A_33 : i32
    %dma_start3A = arith.constant 0 : i32
    %dma_start3A_35 = tpu.memref_slice %arg2[%select_n3A, %add3A_34, %dma_start3A] : memref<4x4096x2048xf32, #tpu.memory_space<hbm>> -> memref<1x8x2048xf32, #tpu.memory_space<hbm>>
    %dma_start3A_36 = tpu.memref_squeeze %dma_start3A_35 : memref<1x8x2048xf32, #tpu.memory_space<hbm>> -> memref<8x2048xf32, #tpu.memory_space<hbm>>
    %dma_start3A_37 = arith.constant 0 : i32
    %dma_start3A_38 = tpu.memref_slice %arg2[%select_n3A, %add3A_34, %dma_start3A_37] : memref<4x4096x2048xf32, #tpu.memory_space<hbm>> -> memref<1x8x2048xf32, #tpu.memory_space<hbm>>
    %dma_start3A_39 = tpu.memref_squeeze %dma_start3A_38 : memref<1x8x2048xf32, #tpu.memory_space<hbm>> -> memref<8x2048xf32, #tpu.memory_space<hbm>>
    tpu.enqueue_dma source(%dma_start3A_39 : memref<8x2048xf32, #tpu.memory_space<hbm>>) target(%arg6 : memref<8x2048xf32, #tpu.memory_space<vmem>>) target_semaphore(%arg12 : memref<!tpu.dma_semaphore, #tpu.memory_space<semaphore_mem>>)
    %add3A_40 = arith.constant 8 : i32
    %add3A_41 = arith.addi %mul3A_32, %add3A_40 : i32
    %dma_start3A_42 = arith.constant 0 : i32
    %dma_start3A_43 = tpu.memref_slice %arg2[%select_n3A, %add3A_41, %dma_start3A_42] : memref<4x4096x2048xf32, #tpu.memory_space<hbm>> -> memref<1x8x2048xf32, #tpu.memory_space<hbm>>
    %dma_start3A_44 = tpu.memref_squeeze %dma_start3A_43 : memref<1x8x2048xf32, #tpu.memory_space<hbm>> -> memref<8x2048xf32, #tpu.memory_space<hbm>>
    %dma_start3A_45 = arith.constant 0 : i32
    %dma_start3A_46 = tpu.memref_slice %arg2[%select_n3A, %add3A_41, %dma_start3A_45] : memref<4x4096x2048xf32, #tpu.memory_space<hbm>> -> memref<1x8x2048xf32, #tpu.memory_space<hbm>>
    %dma_start3A_47 = tpu.memref_squeeze %dma_start3A_46 : memref<1x8x2048xf32, #tpu.memory_space<hbm>> -> memref<8x2048xf32, #tpu.memory_space<hbm>>
    tpu.enqueue_dma source(%dma_start3A_47 : memref<8x2048xf32, #tpu.memory_space<hbm>>) target(%arg7 : memref<8x2048xf32, #tpu.memory_space<vmem>>) target_semaphore(%arg13 : memref<!tpu.dma_semaphore, #tpu.memory_space<semaphore_mem>>)
    %add3A_48 = arith.constant 16 : i32
    %add3A_49 = arith.addi %mul3A_32, %add3A_48 : i32
    %dma_start3A_50 = arith.constant 0 : i32
    %dma_start3A_51 = tpu.memref_slice %arg2[%select_n3A, %add3A_49, %dma_start3A_50] : memref<4x4096x2048xf32, #tpu.memory_space<hbm>> -> memref<1x8x2048xf32, #tpu.memory_space<hbm>>
    %dma_start3A_52 = tpu.memref_squeeze %dma_start3A_51 : memref<1x8x2048xf32, #tpu.memory_space<hbm>> -> memref<8x2048xf32, #tpu.memory_space<hbm>>
    %dma_start3A_53 = arith.constant 0 : i32
    %dma_start3A_54 = tpu.memref_slice %arg2[%select_n3A, %add3A_49, %dma_start3A_53] : memref<4x4096x2048xf32, #tpu.memory_space<hbm>> -> memref<1x8x2048xf32, #tpu.memory_space<hbm>>
    %dma_start3A_55 = tpu.memref_squeeze %dma_start3A_54 : memref<1x8x2048xf32, #tpu.memory_space<hbm>> -> memref<8x2048xf32, #tpu.memory_space<hbm>>
    tpu.enqueue_dma source(%dma_start3A_55 : memref<8x2048xf32, #tpu.memory_space<hbm>>) target(%arg8 : memref<8x2048xf32, #tpu.memory_space<vmem>>) target_semaphore(%arg14 : memref<!tpu.dma_semaphore, #tpu.memory_space<semaphore_mem>>)
    "tpu.region"() ({
      %run_scoped3A = tpu.sem_alloc : memref<!tpu.dma_semaphore, #tpu.memory_space<semaphore_mem>>
      tpu.enqueue_dma source(%arg3 : memref<2048xi32, #tpu.memory_space<hbm>>) target(%arg5 : memref<2048xi32, #tpu.memory_space<vmem>>) target_semaphore(%run_scoped3A : memref<!tpu.dma_semaphore, #tpu.memory_space<semaphore_mem>>)
      tpu.wait_dma2 semaphore(%run_scoped3A : memref<!tpu.dma_semaphore, #tpu.memory_space<semaphore_mem>>) src(%arg3 : memref<2048xi32, #tpu.memory_space<hbm>>) dst(%arg5 : memref<2048xi32, #tpu.memory_space<vmem>>)
      tpu.yield
    }) : () -> ()
    %scan3A = arith.constant 0 : i32
    %scan3A_56 = arith.constant 0 : i32
    %scan3A_57 = arith.constant 21 : i32
    %scan3A_58 = arith.addi %scan3A_56, %scan3A_57 : i32
    %scan3A_59 = arith.constant 1 : i32
    scf.for %scan3A_110 = %scan3A_56 to %scan3A_58 step %scan3A_59  : i32 {
      %mul3A_111 = arith.constant 3 : i32
      %mul3A_112 = arith.muli %mul3A_111, %scan3A_110 : i32
      %add3A_113 = arith.constant 0 : i32
      %add3A_114 = arith.addi %mul3A_112, %add3A_113 : i32
      %mul3A_115 = arith.constant 8 : i32
      %mul3A_116 = arith.muli %add3A_114, %mul3A_115 : i32
      %add3A_117 = arith.addi %mul3A_32, %mul3A_116 : i32
      %dma_wait3A_118 = arith.constant 0 : i32
      %dma_wait3A_119 = tpu.memref_slice %arg2[%select_n3A, %add3A_117, %dma_wait3A_118] : memref<4x4096x2048xf32, #tpu.memory_space<hbm>> -> memref<1x8x2048xf32, #tpu.memory_space<hbm>>
      %dma_wait3A_120 = tpu.memref_squeeze %dma_wait3A_119 : memref<1x8x2048xf32, #tpu.memory_space<hbm>> -> memref<8x2048xf32, #tpu.memory_space<hbm>>
      %dma_wait3A_121 = arith.constant 0 : i32
      %dma_wait3A_122 = tpu.memref_slice %arg2[%select_n3A, %add3A_117, %dma_wait3A_121] : memref<4x4096x2048xf32, #tpu.memory_space<hbm>> -> memref<1x8x2048xf32, #tpu.memory_space<hbm>>
      %dma_wait3A_123 = tpu.memref_squeeze %dma_wait3A_122 : memref<1x8x2048xf32, #tpu.memory_space<hbm>> -> memref<8x2048xf32, #tpu.memory_space<hbm>>
      tpu.wait_dma2 semaphore(%arg12 : memref<!tpu.dma_semaphore, #tpu.memory_space<semaphore_mem>>) src(%dma_wait3A_123 : memref<8x2048xf32, #tpu.memory_space<hbm>>) dst(%arg6 : memref<8x2048xf32, #tpu.memory_space<vmem>>)
      %ge3A = arith.constant 3 : i32
      %ge3A_124 = arith.cmpi sge, %add3A_114, %ge3A : i32
      %convert_element_type3A = arith.extui %ge3A_124 : i1 to i32
      %cond3A = arith.constant 0 : i32
      %cond3A_125 = arith.cmpi ne, %convert_element_type3A, %cond3A : i32
      scf.if %cond3A_125 {
        %mul3A_219 = arith.constant 8 : i32
        %mul3A_220 = arith.muli %add3A_114, %mul3A_219 : i32
        %add3A_221 = arith.addi %mul3A_32, %mul3A_220 : i32
        %dma_wait3A_222 = arith.constant 0 : i32
        %dma_wait3A_223 = tpu.memref_slice %arg4[%select_n3A, %add3A_221, %dma_wait3A_222] : memref<4x4096x2048xf32, #tpu.memory_space<hbm>> -> memref<1x8x2048xf32, #tpu.memory_space<hbm>>
        %dma_wait3A_224 = tpu.memref_squeeze %dma_wait3A_223 : memref<1x8x2048xf32, #tpu.memory_space<hbm>> -> memref<8x2048xf32, #tpu.memory_space<hbm>>
        %dma_wait3A_225 = arith.constant 0 : i32
        %dma_wait3A_226 = tpu.memref_slice %arg4[%select_n3A, %add3A_221, %dma_wait3A_225] : memref<4x4096x2048xf32, #tpu.memory_space<hbm>> -> memref<1x8x2048xf32, #tpu.memory_space<hbm>>
        %dma_wait3A_227 = tpu.memref_squeeze %dma_wait3A_226 : memref<1x8x2048xf32, #tpu.memory_space<hbm>> -> memref<8x2048xf32, #tpu.memory_space<hbm>>
        tpu.wait_dma2 semaphore(%arg15 : memref<!tpu.dma_semaphore, #tpu.memory_space<semaphore_mem>>) src(%arg9 : memref<8x2048xf32, #tpu.memory_space<vmem>>) dst(%dma_wait3A_227 : memref<8x2048xf32, #tpu.memory_space<hbm>>)
      } else {
      }
      %parallel_loop3A_126 = arith.constant 0 : i32
      %parallel_loop3A_127 = arith.constant 128 : i32
      %parallel_loop3A_128 = arith.constant 1 : i32
      scf.for %parallel_loop3A_219 = %parallel_loop3A_126 to %parallel_loop3A_127 step %parallel_loop3A_128  : i32 {
        %parallel_loop3A_220 = arith.constant 16 : i32
        %parallel_loop3A_221 = arith.muli %parallel_loop3A_219, %parallel_loop3A_220 : i32
        %parallel_loop3A_222 = arith.index_cast %parallel_loop3A_221 : i32 to index
        %parallel_loop3A_223 = tpu.vector_load %arg5[%parallel_loop3A_222] {strides = array<i32>} : memref<2048xi32, #tpu.memory_space<vmem>>, vector<16xi32>,
        %parallel_loop3A_224 = arith.constant 0 : i32
        %parallel_loop3A_225 = vector.broadcast %parallel_loop3A_224 : i32 to vector<16xi32>
        %parallel_loop3A_226 = tpu.vector_load_idx %arg6[%parallel_loop3A_225, %parallel_loop3A_223] : memref<8x2048xf32, #tpu.memory_space<vmem>>[vector<16xi32>, vector<16xi32>], vector<16xf32>,
        %parallel_loop3A_227 = arith.constant 16 : i32
        %parallel_loop3A_228 = arith.muli %parallel_loop3A_219, %parallel_loop3A_227 : i32
        %parallel_loop3A_229 = arith.constant 0 : i32
        %parallel_loop3A_230 = arith.index_cast %parallel_loop3A_229 : i32 to index
        %parallel_loop3A_231 = arith.index_cast %parallel_loop3A_228 : i32 to index
        %parallel_loop3A_232 = tpu.vector_load %arg9[%parallel_loop3A_230, %parallel_loop3A_231] {strides = array<i32>} : memref<8x2048xf32, #tpu.memory_space<vmem>>, vector<16xf32>,
        tpu.vector_store %arg9[%parallel_loop3A_230, %parallel_loop3A_231], %parallel_loop3A_226 {strides = array<i32>} : memref<8x2048xf32, #tpu.memory_space<vmem>>, vector<16xf32>,
        %parallel_loop3A_233 = arith.constant 1 : i32
        %parallel_loop3A_234 = vector.broadcast %parallel_loop3A_233 : i32 to vector<16xi32>
        %parallel_loop3A_235 = tpu.vector_load_idx %arg6[%parallel_loop3A_234, %parallel_loop3A_223] : memref<8x2048xf32, #tpu.memory_space<vmem>>[vector<16xi32>, vector<16xi32>], vector<16xf32>,
        %parallel_loop3A_236 = arith.constant 16 : i32
        %parallel_loop3A_237 = arith.muli %parallel_loop3A_219, %parallel_loop3A_236 : i32
        %parallel_loop3A_238 = arith.constant 1 : i32
        %parallel_loop3A_239 = arith.index_cast %parallel_loop3A_238 : i32 to index
        %parallel_loop3A_240 = arith.index_cast %parallel_loop3A_237 : i32 to index
        %parallel_loop3A_241 = tpu.vector_load %arg9[%parallel_loop3A_239, %parallel_loop3A_240] {strides = array<i32>} : memref<8x2048xf32, #tpu.memory_space<vmem>>, vector<16xf32>,
        tpu.vector_store %arg9[%parallel_loop3A_239, %parallel_loop3A_240], %parallel_loop3A_235 {strides = array<i32>} : memref<8x2048xf32, #tpu.memory_space<vmem>>, vector<16xf32>,
        %parallel_loop3A_242 = arith.constant 2 : i32
        %parallel_loop3A_243 = vector.broadcast %parallel_loop3A_242 : i32 to vector<16xi32>
        %parallel_loop3A_244 = tpu.vector_load_idx %arg6[%parallel_loop3A_243, %parallel_loop3A_223] : memref<8x2048xf32, #tpu.memory_space<vmem>>[vector<16xi32>, vector<16xi32>], vector<16xf32>,
        %parallel_loop3A_245 = arith.constant 16 : i32
        %parallel_loop3A_246 = arith.muli %parallel_loop3A_219, %parallel_loop3A_245 : i32
        %parallel_loop3A_247 = arith.constant 2 : i32
        %parallel_loop3A_248 = arith.index_cast %parallel_loop3A_247 : i32 to index
        %parallel_loop3A_249 = arith.index_cast %parallel_loop3A_246 : i32 to index
        %parallel_loop3A_250 = tpu.vector_load %arg9[%parallel_loop3A_248, %parallel_loop3A_249] {strides = array<i32>} : memref<8x2048xf32, #tpu.memory_space<vmem>>, vector<16xf32>,
        tpu.vector_store %arg9[%parallel_loop3A_248, %parallel_loop3A_249], %parallel_loop3A_244 {strides = array<i32>} : memref<8x2048xf32, #tpu.memory_space<vmem>>, vector<16xf32>,
        %parallel_loop3A_251 = arith.constant 3 : i32
        %parallel_loop3A_252 = vector.broadcast %parallel_loop3A_251 : i32 to vector<16xi32>
        %parallel_loop3A_253 = tpu.vector_load_idx %arg6[%parallel_loop3A_252, %parallel_loop3A_223] : memref<8x2048xf32, #tpu.memory_space<vmem>>[vector<16xi32>, vector<16xi32>], vector<16xf32>,
        %parallel_loop3A_254 = arith.constant 16 : i32
        %parallel_loop3A_255 = arith.muli %parallel_loop3A_219, %parallel_loop3A_254 : i32
        %parallel_loop3A_256 = arith.constant 3 : i32
        %parallel_loop3A_257 = arith.index_cast %parallel_loop3A_256 : i32 to index
        %parallel_loop3A_258 = arith.index_cast %parallel_loop3A_255 : i32 to index
        %parallel_loop3A_259 = tpu.vector_load %arg9[%parallel_loop3A_257, %parallel_loop3A_258] {strides = array<i32>} : memref<8x2048xf32, #tpu.memory_space<vmem>>, vector<16xf32>,
        tpu.vector_store %arg9[%parallel_loop3A_257, %parallel_loop3A_258], %parallel_loop3A_253 {strides = array<i32>} : memref<8x2048xf32, #tpu.memory_space<vmem>>, vector<16xf32>,
        %parallel_loop3A_260 = arith.constant 4 : i32
        %parallel_loop3A_261 = vector.broadcast %parallel_loop3A_260 : i32 to vector<16xi32>
        %parallel_loop3A_262 = tpu.vector_load_idx %arg6[%parallel_loop3A_261, %parallel_loop3A_223] : memref<8x2048xf32, #tpu.memory_space<vmem>>[vector<16xi32>, vector<16xi32>], vector<16xf32>,
        %parallel_loop3A_263 = arith.constant 16 : i32
        %parallel_loop3A_264 = arith.muli %parallel_loop3A_219, %parallel_loop3A_263 : i32
        %parallel_loop3A_265 = arith.constant 4 : i32
        %parallel_loop3A_266 = arith.index_cast %parallel_loop3A_265 : i32 to index
        %parallel_loop3A_267 = arith.index_cast %parallel_loop3A_264 : i32 to index
        %parallel_loop3A_268 = tpu.vector_load %arg9[%parallel_loop3A_266, %parallel_loop3A_267] {strides = array<i32>} : memref<8x2048xf32, #tpu.memory_space<vmem>>, vector<16xf32>,
        tpu.vector_store %arg9[%parallel_loop3A_266, %parallel_loop3A_267], %parallel_loop3A_262 {strides = array<i32>} : memref<8x2048xf32, #tpu.memory_space<vmem>>, vector<16xf32>,
        %parallel_loop3A_269 = arith.constant 5 : i32
        %parallel_loop3A_270 = vector.broadcast %parallel_loop3A_269 : i32 to vector<16xi32>
        %parallel_loop3A_271 = tpu.vector_load_idx %arg6[%parallel_loop3A_270, %parallel_loop3A_223] : memref<8x2048xf32, #tpu.memory_space<vmem>>[vector<16xi32>, vector<16xi32>], vector<16xf32>,
        %parallel_loop3A_272 = arith.constant 16 : i32
        %parallel_loop3A_273 = arith.muli %parallel_loop3A_219, %parallel_loop3A_272 : i32
        %parallel_loop3A_274 = arith.constant 5 : i32
        %parallel_loop3A_275 = arith.index_cast %parallel_loop3A_274 : i32 to index
        %parallel_loop3A_276 = arith.index_cast %parallel_loop3A_273 : i32 to index
        %parallel_loop3A_277 = tpu.vector_load %arg9[%parallel_loop3A_275, %parallel_loop3A_276] {strides = array<i32>} : memref<8x2048xf32, #tpu.memory_space<vmem>>, vector<16xf32>,
        tpu.vector_store %arg9[%parallel_loop3A_275, %parallel_loop3A_276], %parallel_loop3A_271 {strides = array<i32>} : memref<8x2048xf32, #tpu.memory_space<vmem>>, vector<16xf32>,
        %parallel_loop3A_278 = arith.constant 6 : i32
        %parallel_loop3A_279 = vector.broadcast %parallel_loop3A_278 : i32 to vector<16xi32>
        %parallel_loop3A_280 = tpu.vector_load_idx %arg6[%parallel_loop3A_279, %parallel_loop3A_223] : memref<8x2048xf32, #tpu.memory_space<vmem>>[vector<16xi32>, vector<16xi32>], vector<16xf32>,
        %parallel_loop3A_281 = arith.constant 16 : i32
        %parallel_loop3A_282 = arith.muli %parallel_loop3A_219, %parallel_loop3A_281 : i32
        %parallel_loop3A_283 = arith.constant 6 : i32
        %parallel_loop3A_284 = arith.index_cast %parallel_loop3A_283 : i32 to index
        %parallel_loop3A_285 = arith.index_cast %parallel_loop3A_282 : i32 to index
        %parallel_loop3A_286 = tpu.vector_load %arg9[%parallel_loop3A_284, %parallel_loop3A_285] {strides = array<i32>} : memref<8x2048xf32, #tpu.memory_space<vmem>>, vector<16xf32>,
        tpu.vector_store %arg9[%parallel_loop3A_284, %parallel_loop3A_285], %parallel_loop3A_280 {strides = array<i32>} : memref<8x2048xf32, #tpu.memory_space<vmem>>, vector<16xf32>,
        %parallel_loop3A_287 = arith.constant 7 : i32
        %parallel_loop3A_288 = vector.broadcast %parallel_loop3A_287 : i32 to vector<16xi32>
        %parallel_loop3A_289 = tpu.vector_load_idx %arg6[%parallel_loop3A_288, %parallel_loop3A_223] : memref<8x2048xf32, #tpu.memory_space<vmem>>[vector<16xi32>, vector<16xi32>], vector<16xf32>,
        %parallel_loop3A_290 = arith.constant 16 : i32
        %parallel_loop3A_291 = arith.muli %parallel_loop3A_219, %parallel_loop3A_290 : i32
        %parallel_loop3A_292 = arith.constant 7 : i32
        %parallel_loop3A_293 = arith.index_cast %parallel_loop3A_292 : i32 to index
        %parallel_loop3A_294 = arith.index_cast %parallel_loop3A_291 : i32 to index
        %parallel_loop3A_295 = tpu.vector_load %arg9[%parallel_loop3A_293, %parallel_loop3A_294] {strides = array<i32>} : memref<8x2048xf32, #tpu.memory_space<vmem>>, vector<16xf32>,
        tpu.vector_store %arg9[%parallel_loop3A_293, %parallel_loop3A_294], %parallel_loop3A_289 {strides = array<i32>} : memref<8x2048xf32, #tpu.memory_space<vmem>>, vector<16xf32>,
      } {sc.loop_unroll_factor = 2 : i64, sc.parallel_access}
      %mul3A_129 = arith.constant 8 : i32
      %mul3A_130 = arith.muli %add3A_114, %mul3A_129 : i32
      %add3A_131 = arith.addi %mul3A_32, %mul3A_130 : i32
      %dma_start3A_132 = arith.constant 0 : i32
      %dma_start3A_133 = tpu.memref_slice %arg4[%select_n3A, %add3A_131, %dma_start3A_132] : memref<4x4096x2048xf32, #tpu.memory_space<hbm>> -> memref<1x8x2048xf32, #tpu.memory_space<hbm>>
      %dma_start3A_134 = tpu.memref_squeeze %dma_start3A_133 : memref<1x8x2048xf32, #tpu.memory_space<hbm>> -> memref<8x2048xf32, #tpu.memory_space<hbm>>
      %dma_start3A_135 = arith.constant 0 : i32
      %dma_start3A_136 = tpu.memref_slice %arg4[%select_n3A, %add3A_131, %dma_start3A_135] : memref<4x4096x2048xf32, #tpu.memory_space<hbm>> -> memref<1x8x2048xf32, #tpu.memory_space<hbm>>
      %dma_start3A_137 = tpu.memref_squeeze %dma_start3A_136 : memref<1x8x2048xf32, #tpu.memory_space<hbm>> -> memref<8x2048xf32, #tpu.memory_space<hbm>>
      tpu.enqueue_dma source(%arg9 : memref<8x2048xf32, #tpu.memory_space<vmem>>) target(%dma_start3A_137 : memref<8x2048xf32, #tpu.memory_space<hbm>>) target_semaphore(%arg15 : memref<!tpu.dma_semaphore, #tpu.memory_space<semaphore_mem>>)
      %add3A_138 = arith.constant 3 : i32
      %add3A_139 = arith.addi %add3A_114, %add3A_138 : i32
      %lt3A_140 = arith.constant 64 : i32
      %lt3A_141 = arith.cmpi slt, %add3A_139, %lt3A_140 : i32
      %convert_element_type3A_142 = arith.extui %lt3A_141 : i1 to i32
      %cond3A_143 = arith.constant 0 : i32
      %cond3A_144 = arith.cmpi ne, %convert_element_type3A_142, %cond3A_143 : i32
      scf.if %cond3A_144 {
        %add3A_219 = arith.constant 3 : i32
        %add3A_220 = arith.addi %add3A_114, %add3A_219 : i32
        %mul3A_221 = arith.constant 8 : i32
        %mul3A_222 = arith.muli %add3A_220, %mul3A_221 : i32
        %add3A_223 = arith.addi %mul3A_32, %mul3A_222 : i32
        %dma_start3A_224 = arith.constant 0 : i32
        %dma_start3A_225 = tpu.memref_slice %arg2[%select_n3A, %add3A_223, %dma_start3A_224] : memref<4x4096x2048xf32, #tpu.memory_space<hbm>> -> memref<1x8x2048xf32, #tpu.memory_space<hbm>>
        %dma_start3A_226 = tpu.memref_squeeze %dma_start3A_225 : memref<1x8x2048xf32, #tpu.memory_space<hbm>> -> memref<8x2048xf32, #tpu.memory_space<hbm>>
        %dma_start3A_227 = arith.constant 0 : i32
        %dma_start3A_228 = tpu.memref_slice %arg2[%select_n3A, %add3A_223, %dma_start3A_227] : memref<4x4096x2048xf32, #tpu.memory_space<hbm>> -> memref<1x8x2048xf32, #tpu.memory_space<hbm>>
        %dma_start3A_229 = tpu.memref_squeeze %dma_start3A_228 : memref<1x8x2048xf32, #tpu.memory_space<hbm>> -> memref<8x2048xf32, #tpu.memory_space<hbm>>
        tpu.enqueue_dma source(%dma_start3A_229 : memref<8x2048xf32, #tpu.memory_space<hbm>>) target(%arg6 : memref<8x2048xf32, #tpu.memory_space<vmem>>) target_semaphore(%arg12 : memref<!tpu.dma_semaphore, #tpu.memory_space<semaphore_mem>>)
      } else {
      }
      %mul3A_145 = arith.constant 3 : i32
      %mul3A_146 = arith.muli %mul3A_145, %scan3A_110 : i32
      %add3A_147 = arith.constant 1 : i32
      %add3A_148 = arith.addi %mul3A_146, %add3A_147 : i32
      %mul3A_149 = arith.constant 8 : i32
      %mul3A_150 = arith.muli %add3A_148, %mul3A_149 : i32
      %add3A_151 = arith.addi %mul3A_32, %mul3A_150 : i32
      %dma_wait3A_152 = arith.constant 0 : i32
      %dma_wait3A_153 = tpu.memref_slice %arg2[%select_n3A, %add3A_151, %dma_wait3A_152] : memref<4x4096x2048xf32, #tpu.memory_space<hbm>> -> memref<1x8x2048xf32, #tpu.memory_space<hbm>>
      %dma_wait3A_154 = tpu.memref_squeeze %dma_wait3A_153 : memref<1x8x2048xf32, #tpu.memory_space<hbm>> -> memref<8x2048xf32, #tpu.memory_space<hbm>>
      %dma_wait3A_155 = arith.constant 0 : i32
      %dma_wait3A_156 = tpu.memref_slice %arg2[%select_n3A, %add3A_151, %dma_wait3A_155] : memref<4x4096x2048xf32, #tpu.memory_space<hbm>> -> memref<1x8x2048xf32, #tpu.memory_space<hbm>>
      %dma_wait3A_157 = tpu.memref_squeeze %dma_wait3A_156 : memref<1x8x2048xf32, #tpu.memory_space<hbm>> -> memref<8x2048xf32, #tpu.memory_space<hbm>>
      tpu.wait_dma2 semaphore(%arg13 : memref<!tpu.dma_semaphore, #tpu.memory_space<semaphore_mem>>) src(%dma_wait3A_157 : memref<8x2048xf32, #tpu.memory_space<hbm>>) dst(%arg7 : memref<8x2048xf32, #tpu.memory_space<vmem>>)
      %ge3A_158 = arith.constant 3 : i32
      %ge3A_159 = arith.cmpi sge, %add3A_148, %ge3A_158 : i32
      %convert_element_type3A_160 = arith.extui %ge3A_159 : i1 to i32
      %cond3A_161 = arith.constant 0 : i32
      %cond3A_162 = arith.cmpi ne, %convert_element_type3A_160, %cond3A_161 : i32
      scf.if %cond3A_162 {
        %mul3A_219 = arith.constant 8 : i32
        %mul3A_220 = arith.muli %add3A_148, %mul3A_219 : i32
        %add3A_221 = arith.addi %mul3A_32, %mul3A_220 : i32
        %dma_wait3A_222 = arith.constant 0 : i32
        %dma_wait3A_223 = tpu.memref_slice %arg4[%select_n3A, %add3A_221, %dma_wait3A_222] : memref<4x4096x2048xf32, #tpu.memory_space<hbm>> -> memref<1x8x2048xf32, #tpu.memory_space<hbm>>
        %dma_wait3A_224 = tpu.memref_squeeze %dma_wait3A_223 : memref<1x8x2048xf32, #tpu.memory_space<hbm>> -> memref<8x2048xf32, #tpu.memory_space<hbm>>
        %dma_wait3A_225 = arith.constant 0 : i32
        %dma_wait3A_226 = tpu.memref_slice %arg4[%select_n3A, %add3A_221, %dma_wait3A_225] : memref<4x4096x2048xf32, #tpu.memory_space<hbm>> -> memref<1x8x2048xf32, #tpu.memory_space<hbm>>
        %dma_wait3A_227 = tpu.memref_squeeze %dma_wait3A_226 : memref<1x8x2048xf32, #tpu.memory_space<hbm>> -> memref<8x2048xf32, #tpu.memory_space<hbm>>
        tpu.wait_dma2 semaphore(%arg16 : memref<!tpu.dma_semaphore, #tpu.memory_space<semaphore_mem>>) src(%arg10 : memref<8x2048xf32, #tpu.memory_space<vmem>>) dst(%dma_wait3A_227 : memref<8x2048xf32, #tpu.memory_space<hbm>>)
      } else {
      }
      %parallel_loop3A_163 = arith.constant 0 : i32
      %parallel_loop3A_164 = arith.constant 128 : i32
      %parallel_loop3A_165 = arith.constant 1 : i32
      scf.for %parallel_loop3A_219 = %parallel_loop3A_163 to %parallel_loop3A_164 step %parallel_loop3A_165  : i32 {
        %parallel_loop3A_220 = arith.constant 16 : i32
        %parallel_loop3A_221 = arith.muli %parallel_loop3A_219, %parallel_loop3A_220 : i32
        %parallel_loop3A_222 = arith.index_cast %parallel_loop3A_221 : i32 to index
        %parallel_loop3A_223 = tpu.vector_load %arg5[%parallel_loop3A_222] {strides = array<i32>} : memref<2048xi32, #tpu.memory_space<vmem>>, vector<16xi32>,
        %parallel_loop3A_224 = arith.constant 0 : i32
        %parallel_loop3A_225 = vector.broadcast %parallel_loop3A_224 : i32 to vector<16xi32>
        %parallel_loop3A_226 = tpu.vector_load_idx %arg7[%parallel_loop3A_225, %parallel_loop3A_223] : memref<8x2048xf32, #tpu.memory_space<vmem>>[vector<16xi32>, vector<16xi32>], vector<16xf32>,
        %parallel_loop3A_227 = arith.constant 16 : i32
        %parallel_loop3A_228 = arith.muli %parallel_loop3A_219, %parallel_loop3A_227 : i32
        %parallel_loop3A_229 = arith.constant 0 : i32
        %parallel_loop3A_230 = arith.index_cast %parallel_loop3A_229 : i32 to index
        %parallel_loop3A_231 = arith.index_cast %parallel_loop3A_228 : i32 to index
        %parallel_loop3A_232 = tpu.vector_load %arg10[%parallel_loop3A_230, %parallel_loop3A_231] {strides = array<i32>} : memref<8x2048xf32, #tpu.memory_space<vmem>>, vector<16xf32>,
        tpu.vector_store %arg10[%parallel_loop3A_230, %parallel_loop3A_231], %parallel_loop3A_226 {strides = array<i32>} : memref<8x2048xf32, #tpu.memory_space<vmem>>, vector<16xf32>,
        %parallel_loop3A_233 = arith.constant 1 : i32
        %parallel_loop3A_234 = vector.broadcast %parallel_loop3A_233 : i32 to vector<16xi32>
        %parallel_loop3A_235 = tpu.vector_load_idx %arg7[%parallel_loop3A_234, %parallel_loop3A_223] : memref<8x2048xf32, #tpu.memory_space<vmem>>[vector<16xi32>, vector<16xi32>], vector<16xf32>,
        %parallel_loop3A_236 = arith.constant 16 : i32
        %parallel_loop3A_237 = arith.muli %parallel_loop3A_219, %parallel_loop3A_236 : i32
        %parallel_loop3A_238 = arith.constant 1 : i32
        %parallel_loop3A_239 = arith.index_cast %parallel_loop3A_238 : i32 to index
        %parallel_loop3A_240 = arith.index_cast %parallel_loop3A_237 : i32 to index
        %parallel_loop3A_241 = tpu.vector_load %arg10[%parallel_loop3A_239, %parallel_loop3A_240] {strides = array<i32>} : memref<8x2048xf32, #tpu.memory_space<vmem>>, vector<16xf32>,
        tpu.vector_store %arg10[%parallel_loop3A_239, %parallel_loop3A_240], %parallel_loop3A_235 {strides = array<i32>} : memref<8x2048xf32, #tpu.memory_space<vmem>>, vector<16xf32>,
        %parallel_loop3A_242 = arith.constant 2 : i32
        %parallel_loop3A_243 = vector.broadcast %parallel_loop3A_242 : i32 to vector<16xi32>
        %parallel_loop3A_244 = tpu.vector_load_idx %arg7[%parallel_loop3A_243, %parallel_loop3A_223] : memref<8x2048xf32, #tpu.memory_space<vmem>>[vector<16xi32>, vector<16xi32>], vector<16xf32>,
        %parallel_loop3A_245 = arith.constant 16 : i32
        %parallel_loop3A_246 = arith.muli %parallel_loop3A_219, %parallel_loop3A_245 : i32
        %parallel_loop3A_247 = arith.constant 2 : i32
        %parallel_loop3A_248 = arith.index_cast %parallel_loop3A_247 : i32 to index
        %parallel_loop3A_249 = arith.index_cast %parallel_loop3A_246 : i32 to index
        %parallel_loop3A_250 = tpu.vector_load %arg10[%parallel_loop3A_248, %parallel_loop3A_249] {strides = array<i32>} : memref<8x2048xf32, #tpu.memory_space<vmem>>, vector<16xf32>,
        tpu.vector_store %arg10[%parallel_loop3A_248, %parallel_loop3A_249], %parallel_loop3A_244 {strides = array<i32>} : memref<8x2048xf32, #tpu.memory_space<vmem>>, vector<16xf32>,
        %parallel_loop3A_251 = arith.constant 3 : i32
        %parallel_loop3A_252 = vector.broadcast %parallel_loop3A_251 : i32 to vector<16xi32>
        %parallel_loop3A_253 = tpu.vector_load_idx %arg7[%parallel_loop3A_252, %parallel_loop3A_223] : memref<8x2048xf32, #tpu.memory_space<vmem>>[vector<16xi32>, vector<16xi32>], vector<16xf32>,
        %parallel_loop3A_254 = arith.constant 16 : i32
        %parallel_loop3A_255 = arith.muli %parallel_loop3A_219, %parallel_loop3A_254 : i32
        %parallel_loop3A_256 = arith.constant 3 : i32
        %parallel_loop3A_257 = arith.index_cast %parallel_loop3A_256 : i32 to index
        %parallel_loop3A_258 = arith.index_cast %parallel_loop3A_255 : i32 to index
        %parallel_loop3A_259 = tpu.vector_load %arg10[%parallel_loop3A_257, %parallel_loop3A_258] {strides = array<i32>} : memref<8x2048xf32, #tpu.memory_space<vmem>>, vector<16xf32>,
        tpu.vector_store %arg10[%parallel_loop3A_257, %parallel_loop3A_258], %parallel_loop3A_253 {strides = array<i32>} : memref<8x2048xf32, #tpu.memory_space<vmem>>, vector<16xf32>,
        %parallel_loop3A_260 = arith.constant 4 : i32
        %parallel_loop3A_261 = vector.broadcast %parallel_loop3A_260 : i32 to vector<16xi32>
        %parallel_loop3A_262 = tpu.vector_load_idx %arg7[%parallel_loop3A_261, %parallel_loop3A_223] : memref<8x2048xf32, #tpu.memory_space<vmem>>[vector<16xi32>, vector<16xi32>], vector<16xf32>,
        %parallel_loop3A_263 = arith.constant 16 : i32
        %parallel_loop3A_264 = arith.muli %parallel_loop3A_219, %parallel_loop3A_263 : i32
        %parallel_loop3A_265 = arith.constant 4 : i32
        %parallel_loop3A_266 = arith.index_cast %parallel_loop3A_265 : i32 to index
        %parallel_loop3A_267 = arith.index_cast %parallel_loop3A_264 : i32 to index
        %parallel_loop3A_268 = tpu.vector_load %arg10[%parallel_loop3A_266, %parallel_loop3A_267] {strides = array<i32>} : memref<8x2048xf32, #tpu.memory_space<vmem>>, vector<16xf32>,
        tpu.vector_store %arg10[%parallel_loop3A_266, %parallel_loop3A_267], %parallel_loop3A_262 {strides = array<i32>} : memref<8x2048xf32, #tpu.memory_space<vmem>>, vector<16xf32>,
        %parallel_loop3A_269 = arith.constant 5 : i32
        %parallel_loop3A_270 = vector.broadcast %parallel_loop3A_269 : i32 to vector<16xi32>
        %parallel_loop3A_271 = tpu.vector_load_idx %arg7[%parallel_loop3A_270, %parallel_loop3A_223] : memref<8x2048xf32, #tpu.memory_space<vmem>>[vector<16xi32>, vector<16xi32>], vector<16xf32>,
        %parallel_loop3A_272 = arith.constant 16 : i32
        %parallel_loop3A_273 = arith.muli %parallel_loop3A_219, %parallel_loop3A_272 : i32
        %parallel_loop3A_274 = arith.constant 5 : i32
        %parallel_loop3A_275 = arith.index_cast %parallel_loop3A_274 : i32 to index
        %parallel_loop3A_276 = arith.index_cast %parallel_loop3A_273 : i32 to index
        %parallel_loop3A_277 = tpu.vector_load %arg10[%parallel_loop3A_275, %parallel_loop3A_276] {strides = array<i32>} : memref<8x2048xf32, #tpu.memory_space<vmem>>, vector<16xf32>,
        tpu.vector_store %arg10[%parallel_loop3A_275, %parallel_loop3A_276], %parallel_loop3A_271 {strides = array<i32>} : memref<8x2048xf32, #tpu.memory_space<vmem>>, vector<16xf32>,
        %parallel_loop3A_278 = arith.constant 6 : i32
        %parallel_loop3A_279 = vector.broadcast %parallel_loop3A_278 : i32 to vector<16xi32>
        %parallel_loop3A_280 = tpu.vector_load_idx %arg7[%parallel_loop3A_279, %parallel_loop3A_223] : memref<8x2048xf32, #tpu.memory_space<vmem>>[vector<16xi32>, vector<16xi32>], vector<16xf32>,
        %parallel_loop3A_281 = arith.constant 16 : i32
        %parallel_loop3A_282 = arith.muli %parallel_loop3A_219, %parallel_loop3A_281 : i32
        %parallel_loop3A_283 = arith.constant 6 : i32
        %parallel_loop3A_284 = arith.index_cast %parallel_loop3A_283 : i32 to index
        %parallel_loop3A_285 = arith.index_cast %parallel_loop3A_282 : i32 to index
        %parallel_loop3A_286 = tpu.vector_load %arg10[%parallel_loop3A_284, %parallel_loop3A_285] {strides = array<i32>} : memref<8x2048xf32, #tpu.memory_space<vmem>>, vector<16xf32>,
        tpu.vector_store %arg10[%parallel_loop3A_284, %parallel_loop3A_285], %parallel_loop3A_280 {strides = array<i32>} : memref<8x2048xf32, #tpu.memory_space<vmem>>, vector<16xf32>,
        %parallel_loop3A_287 = arith.constant 7 : i32
        %parallel_loop3A_288 = vector.broadcast %parallel_loop3A_287 : i32 to vector<16xi32>
        %parallel_loop3A_289 = tpu.vector_load_idx %arg7[%parallel_loop3A_288, %parallel_loop3A_223] : memref<8x2048xf32, #tpu.memory_space<vmem>>[vector<16xi32>, vector<16xi32>], vector<16xf32>,
        %parallel_loop3A_290 = arith.constant 16 : i32
        %parallel_loop3A_291 = arith.muli %parallel_loop3A_219, %parallel_loop3A_290 : i32
        %parallel_loop3A_292 = arith.constant 7 : i32
        %parallel_loop3A_293 = arith.index_cast %parallel_loop3A_292 : i32 to index
        %parallel_loop3A_294 = arith.index_cast %parallel_loop3A_291 : i32 to index
        %parallel_loop3A_295 = tpu.vector_load %arg10[%parallel_loop3A_293, %parallel_loop3A_294] {strides = array<i32>} : memref<8x2048xf32, #tpu.memory_space<vmem>>, vector<16xf32>,
        tpu.vector_store %arg10[%parallel_loop3A_293, %parallel_loop3A_294], %parallel_loop3A_289 {strides = array<i32>} : memref<8x2048xf32, #tpu.memory_space<vmem>>, vector<16xf32>,
      } {sc.loop_unroll_factor = 2 : i64, sc.parallel_access}
      %mul3A_166 = arith.constant 8 : i32
      %mul3A_167 = arith.muli %add3A_148, %mul3A_166 : i32
      %add3A_168 = arith.addi %mul3A_32, %mul3A_167 : i32
      %dma_start3A_169 = arith.constant 0 : i32
      %dma_start3A_170 = tpu.memref_slice %arg4[%select_n3A, %add3A_168, %dma_start3A_169] : memref<4x4096x2048xf32, #tpu.memory_space<hbm>> -> memref<1x8x2048xf32, #tpu.memory_space<hbm>>
      %dma_start3A_171 = tpu.memref_squeeze %dma_start3A_170 : memref<1x8x2048xf32, #tpu.memory_space<hbm>> -> memref<8x2048xf32, #tpu.memory_space<hbm>>
      %dma_start3A_172 = arith.constant 0 : i32
      %dma_start3A_173 = tpu.memref_slice %arg4[%select_n3A, %add3A_168, %dma_start3A_172] : memref<4x4096x2048xf32, #tpu.memory_space<hbm>> -> memref<1x8x2048xf32, #tpu.memory_space<hbm>>
      %dma_start3A_174 = tpu.memref_squeeze %dma_start3A_173 : memref<1x8x2048xf32, #tpu.memory_space<hbm>> -> memref<8x2048xf32, #tpu.memory_space<hbm>>
      tpu.enqueue_dma source(%arg10 : memref<8x2048xf32, #tpu.memory_space<vmem>>) target(%dma_start3A_174 : memref<8x2048xf32, #tpu.memory_space<hbm>>) target_semaphore(%arg16 : memref<!tpu.dma_semaphore, #tpu.memory_space<semaphore_mem>>)
      %add3A_175 = arith.constant 3 : i32
      %add3A_176 = arith.addi %add3A_148, %add3A_175 : i32
      %lt3A_177 = arith.constant 64 : i32
      %lt3A_178 = arith.cmpi slt, %add3A_176, %lt3A_177 : i32
      %convert_element_type3A_179 = arith.extui %lt3A_178 : i1 to i32
      %cond3A_180 = arith.constant 0 : i32
      %cond3A_181 = arith.cmpi ne, %convert_element_type3A_179, %cond3A_180 : i32
      scf.if %cond3A_181 {
        %add3A_219 = arith.constant 3 : i32
        %add3A_220 = arith.addi %add3A_148, %add3A_219 : i32
        %mul3A_221 = arith.constant 8 : i32
        %mul3A_222 = arith.muli %add3A_220, %mul3A_221 : i32
        %add3A_223 = arith.addi %mul3A_32, %mul3A_222 : i32
        %dma_start3A_224 = arith.constant 0 : i32
        %dma_start3A_225 = tpu.memref_slice %arg2[%select_n3A, %add3A_223, %dma_start3A_224] : memref<4x4096x2048xf32, #tpu.memory_space<hbm>> -> memref<1x8x2048xf32, #tpu.memory_space<hbm>>
        %dma_start3A_226 = tpu.memref_squeeze %dma_start3A_225 : memref<1x8x2048xf32, #tpu.memory_space<hbm>> -> memref<8x2048xf32, #tpu.memory_space<hbm>>
        %dma_start3A_227 = arith.constant 0 : i32
        %dma_start3A_228 = tpu.memref_slice %arg2[%select_n3A, %add3A_223, %dma_start3A_227] : memref<4x4096x2048xf32, #tpu.memory_space<hbm>> -> memref<1x8x2048xf32, #tpu.memory_space<hbm>>
        %dma_start3A_229 = tpu.memref_squeeze %dma_start3A_228 : memref<1x8x2048xf32, #tpu.memory_space<hbm>> -> memref<8x2048xf32, #tpu.memory_space<hbm>>
        tpu.enqueue_dma source(%dma_start3A_229 : memref<8x2048xf32, #tpu.memory_space<hbm>>) target(%arg7 : memref<8x2048xf32, #tpu.memory_space<vmem>>) target_semaphore(%arg13 : memref<!tpu.dma_semaphore, #tpu.memory_space<semaphore_mem>>)
      } else {
      }
      %mul3A_182 = arith.constant 3 : i32
      %mul3A_183 = arith.muli %mul3A_182, %scan3A_110 : i32
      %add3A_184 = arith.constant 2 : i32
      %add3A_185 = arith.addi %mul3A_183, %add3A_184 : i32
      %mul3A_186 = arith.constant 8 : i32
      %mul3A_187 = arith.muli %add3A_185, %mul3A_186 : i32
      %add3A_188 = arith.addi %mul3A_32, %mul3A_187 : i32
      %dma_wait3A_189 = arith.constant 0 : i32
      %dma_wait3A_190 = tpu.memref_slice %arg2[%select_n3A, %add3A_188, %dma_wait3A_189] : memref<4x4096x2048xf32, #tpu.memory_space<hbm>> -> memref<1x8x2048xf32, #tpu.memory_space<hbm>>
      %dma_wait3A_191 = tpu.memref_squeeze %dma_wait3A_190 : memref<1x8x2048xf32, #tpu.memory_space<hbm>> -> memref<8x2048xf32, #tpu.memory_space<hbm>>
      %dma_wait3A_192 = arith.constant 0 : i32
      %dma_wait3A_193 = tpu.memref_slice %arg2[%select_n3A, %add3A_188, %dma_wait3A_192] : memref<4x4096x2048xf32, #tpu.memory_space<hbm>> -> memref<1x8x2048xf32, #tpu.memory_space<hbm>>
      %dma_wait3A_194 = tpu.memref_squeeze %dma_wait3A_193 : memref<1x8x2048xf32, #tpu.memory_space<hbm>> -> memref<8x2048xf32, #tpu.memory_space<hbm>>
      tpu.wait_dma2 semaphore(%arg14 : memref<!tpu.dma_semaphore, #tpu.memory_space<semaphore_mem>>) src(%dma_wait3A_194 : memref<8x2048xf32, #tpu.memory_space<hbm>>) dst(%arg8 : memref<8x2048xf32, #tpu.memory_space<vmem>>)
      %ge3A_195 = arith.constant 3 : i32
      %ge3A_196 = arith.cmpi sge, %add3A_185, %ge3A_195 : i32
      %convert_element_type3A_197 = arith.extui %ge3A_196 : i1 to i32
      %cond3A_198 = arith.constant 0 : i32
      %cond3A_199 = arith.cmpi ne, %convert_element_type3A_197, %cond3A_198 : i32
      scf.if %cond3A_199 {
        %mul3A_219 = arith.constant 8 : i32
        %mul3A_220 = arith.muli %add3A_185, %mul3A_219 : i32
        %add3A_221 = arith.addi %mul3A_32, %mul3A_220 : i32
        %dma_wait3A_222 = arith.constant 0 : i32
        %dma_wait3A_223 = tpu.memref_slice %arg4[%select_n3A, %add3A_221, %dma_wait3A_222] : memref<4x4096x2048xf32, #tpu.memory_space<hbm>> -> memref<1x8x2048xf32, #tpu.memory_space<hbm>>
        %dma_wait3A_224 = tpu.memref_squeeze %dma_wait3A_223 : memref<1x8x2048xf32, #tpu.memory_space<hbm>> -> memref<8x2048xf32, #tpu.memory_space<hbm>>
        %dma_wait3A_225 = arith.constant 0 : i32
        %dma_wait3A_226 = tpu.memref_slice %arg4[%select_n3A, %add3A_221, %dma_wait3A_225] : memref<4x4096x2048xf32, #tpu.memory_space<hbm>> -> memref<1x8x2048xf32, #tpu.memory_space<hbm>>
        %dma_wait3A_227 = tpu.memref_squeeze %dma_wait3A_226 : memref<1x8x2048xf32, #tpu.memory_space<hbm>> -> memref<8x2048xf32, #tpu.memory_space<hbm>>
        tpu.wait_dma2 semaphore(%arg17 : memref<!tpu.dma_semaphore, #tpu.memory_space<semaphore_mem>>) src(%arg11 : memref<8x2048xf32, #tpu.memory_space<vmem>>) dst(%dma_wait3A_227 : memref<8x2048xf32, #tpu.memory_space<hbm>>)
      } else {
      }
      %parallel_loop3A_200 = arith.constant 0 : i32
      %parallel_loop3A_201 = arith.constant 128 : i32
      %parallel_loop3A_202 = arith.constant 1 : i32
      scf.for %parallel_loop3A_219 = %parallel_loop3A_200 to %parallel_loop3A_201 step %parallel_loop3A_202  : i32 {
        %parallel_loop3A_220 = arith.constant 16 : i32
        %parallel_loop3A_221 = arith.muli %parallel_loop3A_219, %parallel_loop3A_220 : i32
        %parallel_loop3A_222 = arith.index_cast %parallel_loop3A_221 : i32 to index
        %parallel_loop3A_223 = tpu.vector_load %arg5[%parallel_loop3A_222] {strides = array<i32>} : memref<2048xi32, #tpu.memory_space<vmem>>, vector<16xi32>,
        %parallel_loop3A_224 = arith.constant 0 : i32
        %parallel_loop3A_225 = vector.broadcast %parallel_loop3A_224 : i32 to vector<16xi32>
        %parallel_loop3A_226 = tpu.vector_load_idx %arg8[%parallel_loop3A_225, %parallel_loop3A_223] : memref<8x2048xf32, #tpu.memory_space<vmem>>[vector<16xi32>, vector<16xi32>], vector<16xf32>,
        %parallel_loop3A_227 = arith.constant 16 : i32
        %parallel_loop3A_228 = arith.muli %parallel_loop3A_219, %parallel_loop3A_227 : i32
        %parallel_loop3A_229 = arith.constant 0 : i32
        %parallel_loop3A_230 = arith.index_cast %parallel_loop3A_229 : i32 to index
        %parallel_loop3A_231 = arith.index_cast %parallel_loop3A_228 : i32 to index
        %parallel_loop3A_232 = tpu.vector_load %arg11[%parallel_loop3A_230, %parallel_loop3A_231] {strides = array<i32>} : memref<8x2048xf32, #tpu.memory_space<vmem>>, vector<16xf32>,
        tpu.vector_store %arg11[%parallel_loop3A_230, %parallel_loop3A_231], %parallel_loop3A_226 {strides = array<i32>} : memref<8x2048xf32, #tpu.memory_space<vmem>>, vector<16xf32>,
        %parallel_loop3A_233 = arith.constant 1 : i32
        %parallel_loop3A_234 = vector.broadcast %parallel_loop3A_233 : i32 to vector<16xi32>
        %parallel_loop3A_235 = tpu.vector_load_idx %arg8[%parallel_loop3A_234, %parallel_loop3A_223] : memref<8x2048xf32, #tpu.memory_space<vmem>>[vector<16xi32>, vector<16xi32>], vector<16xf32>,
        %parallel_loop3A_236 = arith.constant 16 : i32
        %parallel_loop3A_237 = arith.muli %parallel_loop3A_219, %parallel_loop3A_236 : i32
        %parallel_loop3A_238 = arith.constant 1 : i32
        %parallel_loop3A_239 = arith.index_cast %parallel_loop3A_238 : i32 to index
        %parallel_loop3A_240 = arith.index_cast %parallel_loop3A_237 : i32 to index
        %parallel_loop3A_241 = tpu.vector_load %arg11[%parallel_loop3A_239, %parallel_loop3A_240] {strides = array<i32>} : memref<8x2048xf32, #tpu.memory_space<vmem>>, vector<16xf32>,
        tpu.vector_store %arg11[%parallel_loop3A_239, %parallel_loop3A_240], %parallel_loop3A_235 {strides = array<i32>} : memref<8x2048xf32, #tpu.memory_space<vmem>>, vector<16xf32>,
        %parallel_loop3A_242 = arith.constant 2 : i32
        %parallel_loop3A_243 = vector.broadcast %parallel_loop3A_242 : i32 to vector<16xi32>
        %parallel_loop3A_244 = tpu.vector_load_idx %arg8[%parallel_loop3A_243, %parallel_loop3A_223] : memref<8x2048xf32, #tpu.memory_space<vmem>>[vector<16xi32>, vector<16xi32>], vector<16xf32>,
        %parallel_loop3A_245 = arith.constant 16 : i32
        %parallel_loop3A_246 = arith.muli %parallel_loop3A_219, %parallel_loop3A_245 : i32
        %parallel_loop3A_247 = arith.constant 2 : i32
        %parallel_loop3A_248 = arith.index_cast %parallel_loop3A_247 : i32 to index
        %parallel_loop3A_249 = arith.index_cast %parallel_loop3A_246 : i32 to index
        %parallel_loop3A_250 = tpu.vector_load %arg11[%parallel_loop3A_248, %parallel_loop3A_249] {strides = array<i32>} : memref<8x2048xf32, #tpu.memory_space<vmem>>, vector<16xf32>,
        tpu.vector_store %arg11[%parallel_loop3A_248, %parallel_loop3A_249], %parallel_loop3A_244 {strides = array<i32>} : memref<8x2048xf32, #tpu.memory_space<vmem>>, vector<16xf32>,
        %parallel_loop3A_251 = arith.constant 3 : i32
        %parallel_loop3A_252 = vector.broadcast %parallel_loop3A_251 : i32 to vector<16xi32>
        %parallel_loop3A_253 = tpu.vector_load_idx %arg8[%parallel_loop3A_252, %parallel_loop3A_223] : memref<8x2048xf32, #tpu.memory_space<vmem>>[vector<16xi32>, vector<16xi32>], vector<16xf32>,
        %parallel_loop3A_254 = arith.constant 16 : i32
        %parallel_loop3A_255 = arith.muli %parallel_loop3A_219, %parallel_loop3A_254 : i32
        %parallel_loop3A_256 = arith.constant 3 : i32
        %parallel_loop3A_257 = arith.index_cast %parallel_loop3A_256 : i32 to index
        %parallel_loop3A_258 = arith.index_cast %parallel_loop3A_255 : i32 to index
        %parallel_loop3A_259 = tpu.vector_load %arg11[%parallel_loop3A_257, %parallel_loop3A_258] {strides = array<i32>} : memref<8x2048xf32, #tpu.memory_space<vmem>>, vector<16xf32>,
        tpu.vector_store %arg11[%parallel_loop3A_257, %parallel_loop3A_258], %parallel_loop3A_253 {strides = array<i32>} : memref<8x2048xf32, #tpu.memory_space<vmem>>, vector<16xf32>,
        %parallel_loop3A_260 = arith.constant 4 : i32
        %parallel_loop3A_261 = vector.broadcast %parallel_loop3A_260 : i32 to vector<16xi32>
        %parallel_loop3A_262 = tpu.vector_load_idx %arg8[%parallel_loop3A_261, %parallel_loop3A_223] : memref<8x2048xf32, #tpu.memory_space<vmem>>[vector<16xi32>, vector<16xi32>], vector<16xf32>,
        %parallel_loop3A_263 = arith.constant 16 : i32
        %parallel_loop3A_264 = arith.muli %parallel_loop3A_219, %parallel_loop3A_263 : i32
        %parallel_loop3A_265 = arith.constant 4 : i32
        %parallel_loop3A_266 = arith.index_cast %parallel_loop3A_265 : i32 to index
        %parallel_loop3A_267 = arith.index_cast %parallel_loop3A_264 : i32 to index
        %parallel_loop3A_268 = tpu.vector_load %arg11[%parallel_loop3A_266, %parallel_loop3A_267] {strides = array<i32>} : memref<8x2048xf32, #tpu.memory_space<vmem>>, vector<16xf32>,
        tpu.vector_store %arg11[%parallel_loop3A_266, %parallel_loop3A_267], %parallel_loop3A_262 {strides = array<i32>} : memref<8x2048xf32, #tpu.memory_space<vmem>>, vector<16xf32>,
        %parallel_loop3A_269 = arith.constant 5 : i32
        %parallel_loop3A_270 = vector.broadcast %parallel_loop3A_269 : i32 to vector<16xi32>
        %parallel_loop3A_271 = tpu.vector_load_idx %arg8[%parallel_loop3A_270, %parallel_loop3A_223] : memref<8x2048xf32, #tpu.memory_space<vmem>>[vector<16xi32>, vector<16xi32>], vector<16xf32>,
        %parallel_loop3A_272 = arith.constant 16 : i32
        %parallel_loop3A_273 = arith.muli %parallel_loop3A_219, %parallel_loop3A_272 : i32
        %parallel_loop3A_274 = arith.constant 5 : i32
        %parallel_loop3A_275 = arith.index_cast %parallel_loop3A_274 : i32 to index
        %parallel_loop3A_276 = arith.index_cast %parallel_loop3A_273 : i32 to index
        %parallel_loop3A_277 = tpu.vector_load %arg11[%parallel_loop3A_275, %parallel_loop3A_276] {strides = array<i32>} : memref<8x2048xf32, #tpu.memory_space<vmem>>, vector<16xf32>,
        tpu.vector_store %arg11[%parallel_loop3A_275, %parallel_loop3A_276], %parallel_loop3A_271 {strides = array<i32>} : memref<8x2048xf32, #tpu.memory_space<vmem>>, vector<16xf32>,
        %parallel_loop3A_278 = arith.constant 6 : i32
        %parallel_loop3A_279 = vector.broadcast %parallel_loop3A_278 : i32 to vector<16xi32>
        %parallel_loop3A_280 = tpu.vector_load_idx %arg8[%parallel_loop3A_279, %parallel_loop3A_223] : memref<8x2048xf32, #tpu.memory_space<vmem>>[vector<16xi32>, vector<16xi32>], vector<16xf32>,
        %parallel_loop3A_281 = arith.constant 16 : i32
        %parallel_loop3A_282 = arith.muli %parallel_loop3A_219, %parallel_loop3A_281 : i32
        %parallel_loop3A_283 = arith.constant 6 : i32
        %parallel_loop3A_284 = arith.index_cast %parallel_loop3A_283 : i32 to index
        %parallel_loop3A_285 = arith.index_cast %parallel_loop3A_282 : i32 to index
        %parallel_loop3A_286 = tpu.vector_load %arg11[%parallel_loop3A_284, %parallel_loop3A_285] {strides = array<i32>} : memref<8x2048xf32, #tpu.memory_space<vmem>>, vector<16xf32>,
        tpu.vector_store %arg11[%parallel_loop3A_284, %parallel_loop3A_285], %parallel_loop3A_280 {strides = array<i32>} : memref<8x2048xf32, #tpu.memory_space<vmem>>, vector<16xf32>,
        %parallel_loop3A_287 = arith.constant 7 : i32
        %parallel_loop3A_288 = vector.broadcast %parallel_loop3A_287 : i32 to vector<16xi32>
        %parallel_loop3A_289 = tpu.vector_load_idx %arg8[%parallel_loop3A_288, %parallel_loop3A_223] : memref<8x2048xf32, #tpu.memory_space<vmem>>[vector<16xi32>, vector<16xi32>], vector<16xf32>,
        %parallel_loop3A_290 = arith.constant 16 : i32
        %parallel_loop3A_291 = arith.muli %parallel_loop3A_219, %parallel_loop3A_290 : i32
        %parallel_loop3A_292 = arith.constant 7 : i32
        %parallel_loop3A_293 = arith.index_cast %parallel_loop3A_292 : i32 to index
        %parallel_loop3A_294 = arith.index_cast %parallel_loop3A_291 : i32 to index
        %parallel_loop3A_295 = tpu.vector_load %arg11[%parallel_loop3A_293, %parallel_loop3A_294] {strides = array<i32>} : memref<8x2048xf32, #tpu.memory_space<vmem>>, vector<16xf32>,
        tpu.vector_store %arg11[%parallel_loop3A_293, %parallel_loop3A_294], %parallel_loop3A_289 {strides = array<i32>} : memref<8x2048xf32, #tpu.memory_space<vmem>>, vector<16xf32>,
      } {sc.loop_unroll_factor = 2 : i64, sc.parallel_access}
      %mul3A_203 = arith.constant 8 : i32
      %mul3A_204 = arith.muli %add3A_185, %mul3A_203 : i32
      %add3A_205 = arith.addi %mul3A_32, %mul3A_204 : i32
      %dma_start3A_206 = arith.constant 0 : i32
      %dma_start3A_207 = tpu.memref_slice %arg4[%select_n3A, %add3A_205, %dma_start3A_206] : memref<4x4096x2048xf32, #tpu.memory_space<hbm>> -> memref<1x8x2048xf32, #tpu.memory_space<hbm>>
      %dma_start3A_208 = tpu.memref_squeeze %dma_start3A_207 : memref<1x8x2048xf32, #tpu.memory_space<hbm>> -> memref<8x2048xf32, #tpu.memory_space<hbm>>
      %dma_start3A_209 = arith.constant 0 : i32
      %dma_start3A_210 = tpu.memref_slice %arg4[%select_n3A, %add3A_205, %dma_start3A_209] : memref<4x4096x2048xf32, #tpu.memory_space<hbm>> -> memref<1x8x2048xf32, #tpu.memory_space<hbm>>
      %dma_start3A_211 = tpu.memref_squeeze %dma_start3A_210 : memref<1x8x2048xf32, #tpu.memory_space<hbm>> -> memref<8x2048xf32, #tpu.memory_space<hbm>>
      tpu.enqueue_dma source(%arg11 : memref<8x2048xf32, #tpu.memory_space<vmem>>) target(%dma_start3A_211 : memref<8x2048xf32, #tpu.memory_space<hbm>>) target_semaphore(%arg17 : memref<!tpu.dma_semaphore, #tpu.memory_space<semaphore_mem>>)
      %add3A_212 = arith.constant 3 : i32
      %add3A_213 = arith.addi %add3A_185, %add3A_212 : i32
      %lt3A_214 = arith.constant 64 : i32
      %lt3A_215 = arith.cmpi slt, %add3A_213, %lt3A_214 : i32
      %convert_element_type3A_216 = arith.extui %lt3A_215 : i1 to i32
      %cond3A_217 = arith.constant 0 : i32
      %cond3A_218 = arith.cmpi ne, %convert_element_type3A_216, %cond3A_217 : i32
      scf.if %cond3A_218 {
        %add3A_219 = arith.constant 3 : i32
        %add3A_220 = arith.addi %add3A_185, %add3A_219 : i32
        %mul3A_221 = arith.constant 8 : i32
        %mul3A_222 = arith.muli %add3A_220, %mul3A_221 : i32
        %add3A_223 = arith.addi %mul3A_32, %mul3A_222 : i32
        %dma_start3A_224 = arith.constant 0 : i32
        %dma_start3A_225 = tpu.memref_slice %arg2[%select_n3A, %add3A_223, %dma_start3A_224] : memref<4x4096x2048xf32, #tpu.memory_space<hbm>> -> memref<1x8x2048xf32, #tpu.memory_space<hbm>>
        %dma_start3A_226 = tpu.memref_squeeze %dma_start3A_225 : memref<1x8x2048xf32, #tpu.memory_space<hbm>> -> memref<8x2048xf32, #tpu.memory_space<hbm>>
        %dma_start3A_227 = arith.constant 0 : i32
        %dma_start3A_228 = tpu.memref_slice %arg2[%select_n3A, %add3A_223, %dma_start3A_227] : memref<4x4096x2048xf32, #tpu.memory_space<hbm>> -> memref<1x8x2048xf32, #tpu.memory_space<hbm>>
        %dma_start3A_229 = tpu.memref_squeeze %dma_start3A_228 : memref<1x8x2048xf32, #tpu.memory_space<hbm>> -> memref<8x2048xf32, #tpu.memory_space<hbm>>
        tpu.enqueue_dma source(%dma_start3A_229 : memref<8x2048xf32, #tpu.memory_space<hbm>>) target(%arg8 : memref<8x2048xf32, #tpu.memory_space<vmem>>) target_semaphore(%arg14 : memref<!tpu.dma_semaphore, #tpu.memory_space<semaphore_mem>>)
      } else {
      }
    }
    %scan3A_60 = arith.constant 21 : i32
    %add3A_61 = arith.constant 504 : i32
    %add3A_62 = arith.addi %mul3A_32, %add3A_61 : i32
    %dma_wait3A = arith.constant 0 : i32
    %dma_wait3A_63 = tpu.memref_slice %arg2[%select_n3A, %add3A_62, %dma_wait3A] : memref<4x4096x2048xf32, #tpu.memory_space<hbm>> -> memref<1x8x2048xf32, #tpu.memory_space<hbm>>
    %dma_wait3A_64 = tpu.memref_squeeze %dma_wait3A_63 : memref<1x8x2048xf32, #tpu.memory_space<hbm>> -> memref<8x2048xf32, #tpu.memory_space<hbm>>
    %dma_wait3A_65 = arith.constant 0 : i32
    %dma_wait3A_66 = tpu.memref_slice %arg2[%select_n3A, %add3A_62, %dma_wait3A_65] : memref<4x4096x2048xf32, #tpu.memory_space<hbm>> -> memref<1x8x2048xf32, #tpu.memory_space<hbm>>
    %dma_wait3A_67 = tpu.memref_squeeze %dma_wait3A_66 : memref<1x8x2048xf32, #tpu.memory_space<hbm>> -> memref<8x2048xf32, #tpu.memory_space<hbm>>
    tpu.wait_dma2 semaphore(%arg12 : memref<!tpu.dma_semaphore, #tpu.memory_space<semaphore_mem>>) src(%dma_wait3A_67 : memref<8x2048xf32, #tpu.memory_space<hbm>>) dst(%arg6 : memref<8x2048xf32, #tpu.memory_space<vmem>>)
    %add3A_68 = arith.constant 504 : i32
    %add3A_69 = arith.addi %mul3A_32, %add3A_68 : i32
    %dma_wait3A_70 = arith.constant 0 : i32
    %dma_wait3A_71 = tpu.memref_slice %arg4[%select_n3A, %add3A_69, %dma_wait3A_70] : memref<4x4096x2048xf32, #tpu.memory_space<hbm>> -> memref<1x8x2048xf32, #tpu.memory_space<hbm>>
    %dma_wait3A_72 = tpu.memref_squeeze %dma_wait3A_71 : memref<1x8x2048xf32, #tpu.memory_space<hbm>> -> memref<8x2048xf32, #tpu.memory_space<hbm>>
    %dma_wait3A_73 = arith.constant 0 : i32
    %dma_wait3A_74 = tpu.memref_slice %arg4[%select_n3A, %add3A_69, %dma_wait3A_73] : memref<4x4096x2048xf32, #tpu.memory_space<hbm>> -> memref<1x8x2048xf32, #tpu.memory_space<hbm>>
    %dma_wait3A_75 = tpu.memref_squeeze %dma_wait3A_74 : memref<1x8x2048xf32, #tpu.memory_space<hbm>> -> memref<8x2048xf32, #tpu.memory_space<hbm>>
    tpu.wait_dma2 semaphore(%arg15 : memref<!tpu.dma_semaphore, #tpu.memory_space<semaphore_mem>>) src(%arg9 : memref<8x2048xf32, #tpu.memory_space<vmem>>) dst(%dma_wait3A_75 : memref<8x2048xf32, #tpu.memory_space<hbm>>)
    %parallel_loop3A = arith.constant 0 : i32
    %parallel_loop3A_76 = arith.constant 128 : i32
    %parallel_loop3A_77 = arith.constant 1 : i32
    scf.for %parallel_loop3A_110 = %parallel_loop3A to %parallel_loop3A_76 step %parallel_loop3A_77  : i32 {
      %parallel_loop3A_111 = arith.constant 16 : i32
      %parallel_loop3A_112 = arith.muli %parallel_loop3A_110, %parallel_loop3A_111 : i32
      %parallel_loop3A_113 = arith.index_cast %parallel_loop3A_112 : i32 to index
      %parallel_loop3A_114 = tpu.vector_load %arg5[%parallel_loop3A_113] {strides = array<i32>} : memref<2048xi32, #tpu.memory_space<vmem>>, vector<16xi32>,
      %parallel_loop3A_115 = arith.constant 0 : i32
      %parallel_loop3A_116 = vector.broadcast %parallel_loop3A_115 : i32 to vector<16xi32>
      %parallel_loop3A_117 = tpu.vector_load_idx %arg6[%parallel_loop3A_116, %parallel_loop3A_114] : memref<8x2048xf32, #tpu.memory_space<vmem>>[vector<16xi32>, vector<16xi32>], vector<16xf32>,
      %parallel_loop3A_118 = arith.constant 16 : i32
      %parallel_loop3A_119 = arith.muli %parallel_loop3A_110, %parallel_loop3A_118 : i32
      %parallel_loop3A_120 = arith.constant 0 : i32
      %parallel_loop3A_121 = arith.index_cast %parallel_loop3A_120 : i32 to index
      %parallel_loop3A_122 = arith.index_cast %parallel_loop3A_119 : i32 to index
      %parallel_loop3A_123 = tpu.vector_load %arg9[%parallel_loop3A_121, %parallel_loop3A_122] {strides = array<i32>} : memref<8x2048xf32, #tpu.memory_space<vmem>>, vector<16xf32>,
      tpu.vector_store %arg9[%parallel_loop3A_121, %parallel_loop3A_122], %parallel_loop3A_117 {strides = array<i32>} : memref<8x2048xf32, #tpu.memory_space<vmem>>, vector<16xf32>,
      %parallel_loop3A_124 = arith.constant 1 : i32
      %parallel_loop3A_125 = vector.broadcast %parallel_loop3A_124 : i32 to vector<16xi32>
      %parallel_loop3A_126 = tpu.vector_load_idx %arg6[%parallel_loop3A_125, %parallel_loop3A_114] : memref<8x2048xf32, #tpu.memory_space<vmem>>[vector<16xi32>, vector<16xi32>], vector<16xf32>,
      %parallel_loop3A_127 = arith.constant 16 : i32
      %parallel_loop3A_128 = arith.muli %parallel_loop3A_110, %parallel_loop3A_127 : i32
      %parallel_loop3A_129 = arith.constant 1 : i32
      %parallel_loop3A_130 = arith.index_cast %parallel_loop3A_129 : i32 to index
      %parallel_loop3A_131 = arith.index_cast %parallel_loop3A_128 : i32 to index
      %parallel_loop3A_132 = tpu.vector_load %arg9[%parallel_loop3A_130, %parallel_loop3A_131] {strides = array<i32>} : memref<8x2048xf32, #tpu.memory_space<vmem>>, vector<16xf32>,
      tpu.vector_store %arg9[%parallel_loop3A_130, %parallel_loop3A_131], %parallel_loop3A_126 {strides = array<i32>} : memref<8x2048xf32, #tpu.memory_space<vmem>>, vector<16xf32>,
      %parallel_loop3A_133 = arith.constant 2 : i32
      %parallel_loop3A_134 = vector.broadcast %parallel_loop3A_133 : i32 to vector<16xi32>
      %parallel_loop3A_135 = tpu.vector_load_idx %arg6[%parallel_loop3A_134, %parallel_loop3A_114] : memref<8x2048xf32, #tpu.memory_space<vmem>>[vector<16xi32>, vector<16xi32>], vector<16xf32>,
      %parallel_loop3A_136 = arith.constant 16 : i32
      %parallel_loop3A_137 = arith.muli %parallel_loop3A_110, %parallel_loop3A_136 : i32
      %parallel_loop3A_138 = arith.constant 2 : i32
      %parallel_loop3A_139 = arith.index_cast %parallel_loop3A_138 : i32 to index
      %parallel_loop3A_140 = arith.index_cast %parallel_loop3A_137 : i32 to index
      %parallel_loop3A_141 = tpu.vector_load %arg9[%parallel_loop3A_139, %parallel_loop3A_140] {strides = array<i32>} : memref<8x2048xf32, #tpu.memory_space<vmem>>, vector<16xf32>,
      tpu.vector_store %arg9[%parallel_loop3A_139, %parallel_loop3A_140], %parallel_loop3A_135 {strides = array<i32>} : memref<8x2048xf32, #tpu.memory_space<vmem>>, vector<16xf32>,
      %parallel_loop3A_142 = arith.constant 3 : i32
      %parallel_loop3A_143 = vector.broadcast %parallel_loop3A_142 : i32 to vector<16xi32>
      %parallel_loop3A_144 = tpu.vector_load_idx %arg6[%parallel_loop3A_143, %parallel_loop3A_114] : memref<8x2048xf32, #tpu.memory_space<vmem>>[vector<16xi32>, vector<16xi32>], vector<16xf32>,
      %parallel_loop3A_145 = arith.constant 16 : i32
      %parallel_loop3A_146 = arith.muli %parallel_loop3A_110, %parallel_loop3A_145 : i32
      %parallel_loop3A_147 = arith.constant 3 : i32
      %parallel_loop3A_148 = arith.index_cast %parallel_loop3A_147 : i32 to index
      %parallel_loop3A_149 = arith.index_cast %parallel_loop3A_146 : i32 to index
      %parallel_loop3A_150 = tpu.vector_load %arg9[%parallel_loop3A_148, %parallel_loop3A_149] {strides = array<i32>} : memref<8x2048xf32, #tpu.memory_space<vmem>>, vector<16xf32>,
      tpu.vector_store %arg9[%parallel_loop3A_148, %parallel_loop3A_149], %parallel_loop3A_144 {strides = array<i32>} : memref<8x2048xf32, #tpu.memory_space<vmem>>, vector<16xf32>,
      %parallel_loop3A_151 = arith.constant 4 : i32
      %parallel_loop3A_152 = vector.broadcast %parallel_loop3A_151 : i32 to vector<16xi32>
      %parallel_loop3A_153 = tpu.vector_load_idx %arg6[%parallel_loop3A_152, %parallel_loop3A_114] : memref<8x2048xf32, #tpu.memory_space<vmem>>[vector<16xi32>, vector<16xi32>], vector<16xf32>,
      %parallel_loop3A_154 = arith.constant 16 : i32
      %parallel_loop3A_155 = arith.muli %parallel_loop3A_110, %parallel_loop3A_154 : i32
      %parallel_loop3A_156 = arith.constant 4 : i32
      %parallel_loop3A_157 = arith.index_cast %parallel_loop3A_156 : i32 to index
      %parallel_loop3A_158 = arith.index_cast %parallel_loop3A_155 : i32 to index
      %parallel_loop3A_159 = tpu.vector_load %arg9[%parallel_loop3A_157, %parallel_loop3A_158] {strides = array<i32>} : memref<8x2048xf32, #tpu.memory_space<vmem>>, vector<16xf32>,
      tpu.vector_store %arg9[%parallel_loop3A_157, %parallel_loop3A_158], %parallel_loop3A_153 {strides = array<i32>} : memref<8x2048xf32, #tpu.memory_space<vmem>>, vector<16xf32>,
      %parallel_loop3A_160 = arith.constant 5 : i32
      %parallel_loop3A_161 = vector.broadcast %parallel_loop3A_160 : i32 to vector<16xi32>
      %parallel_loop3A_162 = tpu.vector_load_idx %arg6[%parallel_loop3A_161, %parallel_loop3A_114] : memref<8x2048xf32, #tpu.memory_space<vmem>>[vector<16xi32>, vector<16xi32>], vector<16xf32>,
      %parallel_loop3A_163 = arith.constant 16 : i32
      %parallel_loop3A_164 = arith.muli %parallel_loop3A_110, %parallel_loop3A_163 : i32
      %parallel_loop3A_165 = arith.constant 5 : i32
      %parallel_loop3A_166 = arith.index_cast %parallel_loop3A_165 : i32 to index
      %parallel_loop3A_167 = arith.index_cast %parallel_loop3A_164 : i32 to index
      %parallel_loop3A_168 = tpu.vector_load %arg9[%parallel_loop3A_166, %parallel_loop3A_167] {strides = array<i32>} : memref<8x2048xf32, #tpu.memory_space<vmem>>, vector<16xf32>,
      tpu.vector_store %arg9[%parallel_loop3A_166, %parallel_loop3A_167], %parallel_loop3A_162 {strides = array<i32>} : memref<8x2048xf32, #tpu.memory_space<vmem>>, vector<16xf32>,
      %parallel_loop3A_169 = arith.constant 6 : i32
      %parallel_loop3A_170 = vector.broadcast %parallel_loop3A_169 : i32 to vector<16xi32>
      %parallel_loop3A_171 = tpu.vector_load_idx %arg6[%parallel_loop3A_170, %parallel_loop3A_114] : memref<8x2048xf32, #tpu.memory_space<vmem>>[vector<16xi32>, vector<16xi32>], vector<16xf32>,
      %parallel_loop3A_172 = arith.constant 16 : i32
      %parallel_loop3A_173 = arith.muli %parallel_loop3A_110, %parallel_loop3A_172 : i32
      %parallel_loop3A_174 = arith.constant 6 : i32
      %parallel_loop3A_175 = arith.index_cast %parallel_loop3A_174 : i32 to index
      %parallel_loop3A_176 = arith.index_cast %parallel_loop3A_173 : i32 to index
      %parallel_loop3A_177 = tpu.vector_load %arg9[%parallel_loop3A_175, %parallel_loop3A_176] {strides = array<i32>} : memref<8x2048xf32, #tpu.memory_space<vmem>>, vector<16xf32>,
      tpu.vector_store %arg9[%parallel_loop3A_175, %parallel_loop3A_176], %parallel_loop3A_171 {strides = array<i32>} : memref<8x2048xf32, #tpu.memory_space<vmem>>, vector<16xf32>,
      %parallel_loop3A_178 = arith.constant 7 : i32
      %parallel_loop3A_179 = vector.broadcast %parallel_loop3A_178 : i32 to vector<16xi32>
      %parallel_loop3A_180 = tpu.vector_load_idx %arg6[%parallel_loop3A_179, %parallel_loop3A_114] : memref<8x2048xf32, #tpu.memory_space<vmem>>[vector<16xi32>, vector<16xi32>], vector<16xf32>,
      %parallel_loop3A_181 = arith.constant 16 : i32
      %parallel_loop3A_182 = arith.muli %parallel_loop3A_110, %parallel_loop3A_181 : i32
      %parallel_loop3A_183 = arith.constant 7 : i32
      %parallel_loop3A_184 = arith.index_cast %parallel_loop3A_183 : i32 to index
      %parallel_loop3A_185 = arith.index_cast %parallel_loop3A_182 : i32 to index
      %parallel_loop3A_186 = tpu.vector_load %arg9[%parallel_loop3A_184, %parallel_loop3A_185] {strides = array<i32>} : memref<8x2048xf32, #tpu.memory_space<vmem>>, vector<16xf32>,
      tpu.vector_store %arg9[%parallel_loop3A_184, %parallel_loop3A_185], %parallel_loop3A_180 {strides = array<i32>} : memref<8x2048xf32, #tpu.memory_space<vmem>>, vector<16xf32>,
    } {sc.loop_unroll_factor = 2 : i64, sc.parallel_access}
    %add3A_78 = arith.constant 504 : i32
    %add3A_79 = arith.addi %mul3A_32, %add3A_78 : i32
    %dma_start3A_80 = arith.constant 0 : i32
    %dma_start3A_81 = tpu.memref_slice %arg4[%select_n3A, %add3A_79, %dma_start3A_80] : memref<4x4096x2048xf32, #tpu.memory_space<hbm>> -> memref<1x8x2048xf32, #tpu.memory_space<hbm>>
    %dma_start3A_82 = tpu.memref_squeeze %dma_start3A_81 : memref<1x8x2048xf32, #tpu.memory_space<hbm>> -> memref<8x2048xf32, #tpu.memory_space<hbm>>
    %dma_start3A_83 = arith.constant 0 : i32
    %dma_start3A_84 = tpu.memref_slice %arg4[%select_n3A, %add3A_79, %dma_start3A_83] : memref<4x4096x2048xf32, #tpu.memory_space<hbm>> -> memref<1x8x2048xf32, #tpu.memory_space<hbm>>
    %dma_start3A_85 = tpu.memref_squeeze %dma_start3A_84 : memref<1x8x2048xf32, #tpu.memory_space<hbm>> -> memref<8x2048xf32, #tpu.memory_space<hbm>>
    tpu.enqueue_dma source(%arg9 : memref<8x2048xf32, #tpu.memory_space<vmem>>) target(%dma_start3A_85 : memref<8x2048xf32, #tpu.memory_space<hbm>>) target_semaphore(%arg15 : memref<!tpu.dma_semaphore, #tpu.memory_space<semaphore_mem>>)
    %add3A_86 = arith.constant 0 : i32
    %add3A_87 = arith.addi %mul3A_32, %add3A_86 : i32
    %dma_wait3A_88 = arith.constant 0 : i32
    %dma_wait3A_89 = tpu.memref_slice %arg4[%select_n3A, %add3A_87, %dma_wait3A_88] : memref<4x4096x2048xf32, #tpu.memory_space<hbm>> -> memref<1x8x2048xf32, #tpu.memory_space<hbm>>
    %dma_wait3A_90 = tpu.memref_squeeze %dma_wait3A_89 : memref<1x8x2048xf32, #tpu.memory_space<hbm>> -> memref<8x2048xf32, #tpu.memory_space<hbm>>
    %dma_wait3A_91 = arith.constant 0 : i32
    %dma_wait3A_92 = tpu.memref_slice %arg4[%select_n3A, %add3A_87, %dma_wait3A_91] : memref<4x4096x2048xf32, #tpu.memory_space<hbm>> -> memref<1x8x2048xf32, #tpu.memory_space<hbm>>
    %dma_wait3A_93 = tpu.memref_squeeze %dma_wait3A_92 : memref<1x8x2048xf32, #tpu.memory_space<hbm>> -> memref<8x2048xf32, #tpu.memory_space<hbm>>
    tpu.wait_dma2 semaphore(%arg15 : memref<!tpu.dma_semaphore, #tpu.memory_space<semaphore_mem>>) src(%arg9 : memref<8x2048xf32, #tpu.memory_space<vmem>>) dst(%dma_wait3A_93 : memref<8x2048xf32, #tpu.memory_space<hbm>>)
    %add3A_94 = arith.constant 8 : i32
    %add3A_95 = arith.addi %mul3A_32, %add3A_94 : i32
    %dma_wait3A_96 = arith.constant 0 : i32
    %dma_wait3A_97 = tpu.memref_slice %arg4[%select_n3A, %add3A_95, %dma_wait3A_96] : memref<4x4096x2048xf32, #tpu.memory_space<hbm>> -> memref<1x8x2048xf32, #tpu.memory_space<hbm>>
    %dma_wait3A_98 = tpu.memref_squeeze %dma_wait3A_97 : memref<1x8x2048xf32, #tpu.memory_space<hbm>> -> memref<8x2048xf32, #tpu.memory_space<hbm>>
    %dma_wait3A_99 = arith.constant 0 : i32
    %dma_wait3A_100 = tpu.memref_slice %arg4[%select_n3A, %add3A_95, %dma_wait3A_99] : memref<4x4096x2048xf32, #tpu.memory_space<hbm>> -> memref<1x8x2048xf32, #tpu.memory_space<hbm>>
    %dma_wait3A_101 = tpu.memref_squeeze %dma_wait3A_100 : memref<1x8x2048xf32, #tpu.memory_space<hbm>> -> memref<8x2048xf32, #tpu.memory_space<hbm>>
    tpu.wait_dma2 semaphore(%arg16 : memref<!tpu.dma_semaphore, #tpu.memory_space<semaphore_mem>>) src(%arg10 : memref<8x2048xf32, #tpu.memory_space<vmem>>) dst(%dma_wait3A_101 : memref<8x2048xf32, #tpu.memory_space<hbm>>)
    %add3A_102 = arith.constant 16 : i32
    %add3A_103 = arith.addi %mul3A_32, %add3A_102 : i32
    %dma_wait3A_104 = arith.constant 0 : i32
    %dma_wait3A_105 = tpu.memref_slice %arg4[%select_n3A, %add3A_103, %dma_wait3A_104] : memref<4x4096x2048xf32, #tpu.memory_space<hbm>> -> memref<1x8x2048xf32, #tpu.memory_space<hbm>>
    %dma_wait3A_106 = tpu.memref_squeeze %dma_wait3A_105 : memref<1x8x2048xf32, #tpu.memory_space<hbm>> -> memref<8x2048xf32, #tpu.memory_space<hbm>>
    %dma_wait3A_107 = arith.constant 0 : i32
    %dma_wait3A_108 = tpu.memref_slice %arg4[%select_n3A, %add3A_103, %dma_wait3A_107] : memref<4x4096x2048xf32, #tpu.memory_space<hbm>> -> memref<1x8x2048xf32, #tpu.memory_space<hbm>>
    %dma_wait3A_109 = tpu.memref_squeeze %dma_wait3A_108 : memref<1x8x2048xf32, #tpu.memory_space<hbm>> -> memref<8x2048xf32, #tpu.memory_space<hbm>>
    tpu.wait_dma2 semaphore(%arg17 : memref<!tpu.dma_semaphore, #tpu.memory_space<semaphore_mem>>) src(%arg11 : memref<8x2048xf32, #tpu.memory_space<vmem>>) dst(%dma_wait3A_109 : memref<8x2048xf32, #tpu.memory_space<hbm>>)
    return
  }
}

</mosaic_0001>

<sc_bundles>
// kernel: kernel.3.cloned.1.call-start
scs
__scs_entry_jumppad:
0x0: {  	(pc) =	sbr.rel $0x88, $3  }
0x1: {  	(tag) =	ssettag $0x0;
	lr =	simm.s32 $0x1  }
0x2: {  	[smem:$0x3F9F] =	sst lr;
	_ =	strace $0xD0000000  }
0x3: {  	_ = 	snop  }
0x4: {  	_ = 	snop  }
0x5: {  	_ = 	snop  }
0x6: {  	_ = 	snop  }
0x7: {  	_ = 	snop  }
__scs_overlays_trampoline_lowered:
0x8: {  	[smem:$0x3FAE] =	sst s0  }
0x9: {  	[smem:$0x3FAF] =	sst s1  }
0xa: {  	[smem:$0x3FB0] =	sst s2  }
0xb: {  	[smem:$0x3FB1] =	sst s3  }
0xc: {  	[smem:$0x3FB2] =	sst s4  }
0xd: {  	[smem:$0x3FB3] =	sst s5  }
0xe: {  	[smem:$0x3FB4] =	sst s6  }
0xf: {  	[smem:$0x3FB5] =	sst s7  }
0x10: {  	[smem:$0x3FB6] =	sst s8  }
0x11: {  	[smem:$0x3FB7] =	sst s9;
	s0 =	simm.s32 @!p0 $0x0  }
0x12: {  	s1 =	sld [smem:$0x3F9D];
	s0 =	simm.s32 @p0 $0x1  }
0x13: {  	[smem:$0x3FB8] =	sst s0;
	s0 =	simm.s32 @!p1 $0x0  }
0x14: {  	s2 =	sld [smem:$0x3F9C];
	s0 =	simm.s32 @p1 $0x1  }
0x15: {  	[smem:$0x3FB9] =	sst s0;
	s0 =	simm.s32 @!p2 $0x0  }
0x16: {  	s3 =	sld [smem:$0x3FDB];
	s0 =	simm.s32 @p2 $0x1  }
0x17: {  	s4 =	simm.s32 $0x1BF5;
	[smem:$0x3FBB] =	sst s0  }
0x18: {  	s0 =	sld [smem:$0x3F9E];
	_ =	swait.ge [sflag:s4], $0x0  }
0x19: {  	s7 =	sld [smem:$0x3F9F]  }
0x1a: {  	s8 =	sadd.s32 $0xFFFFE003, lr  }
0x1b: {  	s9 =	sadd.s32 $0xFFFFFEF7, lr;
	s5 =	simm.s32 $0xFFFFFFFF;
	p2 =	slt.u32 s8, $0xFFFFF086  }
0x1c: {  	p1 =	slt.u32 s9, $0xF7A;
	s5 =	simm.s32 @!p2 $0x0  }
0x1d: {  	s5 =	simm.s32 @p1 $0x1;
	p0 =	seq.s32 s7, s2  }
0x1e: {  	s7 =	smul.u32 @!p0 $0xF7A, s2;
	p2 =	seq.s32 @!p0 s5, $0x0  }
0x1f: {  	s9 =	smul.u32 $0xF7A, s1;
	s8 =	simm.s32 @!p0 $0x1BF5;
	p2 =	por !p2, p0  }
0x20: {  	[sflag:s8] =	ssyncset.s32 @!p0 $0xFFFFF086;
	s6 =	sadd.s32 @!p0 s3, s7;
	s7 =	simm.s32 @!p0 $0x108  }
0x21: {  	s3 =	sadd.s32 s3, s9;
	s6 =	sadd.s32 @!p0 $0x88, s6;
	s7 =	simm.s32 @p2 $0x1082  }
0x22: {  	[simem:s7], [sflag:s8] =	dma.local @!p0 [hbm:s6], $0xF7A  }
0x23: {  	s9 =	sor.u32 $0xD0000000, s2;
	s6 =	simm.s32 $0x108;
	_ =	swait.ge @!p0 [sflag:s8], $0x0  }
0x24: {  	s3 =	sadd.s32 $0x88, s3;
	s6 =	simm.s32 @!p1 $0x1082;
	[sflag:s4] =	ssyncset.s32 $0xFFFFF086  }
0x25: {  	[simem:s6], [sflag:s4] =	dma.local [hbm:s3], $0xF7A  }
0x26: {  	[smem:$0x3F9F] =	sst s1;
	(tag) =	ssettag s2;
	_ =	strace s9  }
0x27: {  	s1 =	sld [smem:$0x3FAF]  }
0x28: {  	s2 =	sld [smem:$0x3FB0]  }
0x29: {  	s4 =	sld [smem:$0x3FB2]  }
0x2a: {  	p0 =	seq.s32 s5, $0x0;
	s5 =	sld [smem:$0x3FB3]  }
0x2b: {  	s6 =	sld [smem:$0x3FB4]  }
0x2c: {  	s7 =	sld [smem:$0x3FB5]  }
0x2d: {  	s3 =	simm.s32 $0x108;
	s8 =	sld [smem:$0x3FB6]  }
0x2e: {  	s3 =	simm.s32 @!p0 $0x1082;
	s9 =	sld [smem:$0x3FB7]  }
0x2f: {  	lr =	sadd.s32 s0, s3;
	s0 =	sld [smem:$0x3FAE]  }
0x30: {  	s3 =	sld [smem:$0x3FB1]  }
0x31: {  	[smem:$0x3FBA] =	sst s10  }
0x32: {  	s10 =	sld [smem:$0x3FB8];
	_ =	sdelay $0x3  }
0x33: {  	p0 =	seq.s32 s10, $0x1;
	s10 =	sld [smem:$0x3FBA];
	_ =	sdelay $0x3  }
0x34: {  	[smem:$0x3FBA] =	sst s10  }
0x35: {  	s10 =	sld [smem:$0x3FB9];
	_ =	sdelay $0x3  }
0x36: {  	p1 =	seq.s32 s10, $0x1;
	s10 =	sld [smem:$0x3FBA];
	_ =	sdelay $0x3  }
0x37: {  	[smem:$0x3FBA] =	sst s10  }
0x38: {  	s10 =	sld [smem:$0x3FBB]  }
0x39: {  	_ = 	snop;
	(pc) =	sbr.ind lr, $3  }
0x3a: {  	_ = 	snop  }
0x3b: {  	_ = 	snop  }
0x3c: {  	p2 =	seq.s32 s10, $0x1;
	s10 =	sld [smem:$0x3FBA]  }
0x3d: {  	_ =	shalt  }
0x3e: {  	_ =	shalt  }
0x3f: {  	_ =	shalt  }
0x40: {  	_ =	shalt  }
0x41: {  	_ =	shalt  }
0x42: {  	_ =	shalt  }
0x43: {  	_ =	shalt  }
0x44: {  	_ =	shalt  }
0x45: {  	_ =	shalt  }
0x46: {  	_ =	shalt  }
0x47: {  	_ =	shalt  }
0x48: {  	_ =	shalt  }
0x49: {  	_ =	shalt  }
0x4a: {  	_ =	shalt  }
0x4b: {  	_ =	shalt  }
0x4c: {  	_ =	shalt  }
0x4d: {  	_ =	shalt  }
0x4e: {  	_ =	shalt  }
0x4f: {  	_ =	shalt  }
0x50: {  	_ =	shalt  }
0x51: {  	_ =	shalt  }
0x52: {  	_ =	shalt  }
0x53: {  	_ =	shalt  }
0x54: {  	_ =	shalt  }
0x55: {  	_ =	shalt  }
0x56: {  	_ =	shalt  }
0x57: {  	_ =	shalt  }
0x58: {  	_ =	shalt  }
0x59: {  	_ =	shalt  }
0x5a: {  	_ =	shalt  }
0x5b: {  	_ =	shalt  }
0x5c: {  	_ =	shalt  }
0x5d: {  	_ =	shalt  }
0x5e: {  	_ =	shalt  }
0x5f: {  	_ =	shalt  }
0x60: {  	_ =	shalt  }
0x61: {  	_ =	shalt  }
0x62: {  	_ =	shalt  }
0x63: {  	_ =	shalt  }
0x64: {  	_ =	shalt  }
0x65: {  	_ =	shalt  }
0x66: {  	_ =	shalt  }
0x67: {  	_ =	shalt  }
0x68: {  	_ =	shalt  }
0x69: {  	_ =	shalt  }
0x6a: {  	_ =	shalt  }
0x6b: {  	_ =	shalt  }
0x6c: {  	_ =	shalt  }
0x6d: {  	_ =	shalt  }
0x6e: {  	_ =	shalt  }
0x6f: {  	_ =	shalt  }
0x70: {  	_ =	shalt  }
0x71: {  	_ =	shalt  }
0x72: {  	_ =	shalt  }
0x73: {  	_ =	shalt  }
0x74: {  	_ =	shalt  }
0x75: {  	_ =	shalt  }
0x76: {  	_ =	shalt  }
0x77: {  	_ =	shalt  }
0x78: {  	_ =	shalt  }
0x79: {  	_ =	shalt  }
0x7a: {  	_ =	shalt  }
0x7b: {  	_ =	shalt  }
0x7c: {  	_ =	shalt  }
0x7d: {  	_ =	shalt  }
0x7e: {  	_ =	shalt  }
0x7f: {  	_ =	shalt  }
0x80: {  	_ =	shalt  }
0x81: {  	_ =	shalt  }
0x82: {  	_ =	shalt  }
0x83: {  	_ =	shalt  }
0x84: {  	_ =	shalt  }
0x85: {  	_ =	shalt  }
0x86: {  	_ =	shalt  }
0x87: {  	_ =	shalt  }
.Lfunc_end0:
.L_simem_size_0:
called_computation_lowered:
.L_overlay_start_0:
0x88: {  	s2 =	sld [smem:$0x3FD9]  }
0x89: {  	s3 =	sld [smem:$0x3FFE];
	_ =	sdelay $0x1  }
0x8a: {  	s1 =	srdreg.scid  }
0x8b: {  	s0 =	sand.u32 $0x1, s1  }
0x8c: {  	s18 =	sshll.u32 s0, $0xA;
	s2 =	sadd.s32 s3, s2  }
0x8d: {  	s2 =	sadd.s32 s2, s18  }
0x8e: {  	[smem:$0x3FC6] =	sst s2  }
0x8f: {  	_ = 	snop  }
0x90: {  	s2 =	sld [smem:$0x3FC9]  }
0x91: {  	s19 =	sld [smem:$0x3FC8]  }
0x92: {  	s4 =	sld [smem:$0x3FD0];
	(tm) =	ssettm $0x1  }
0x93: {  	s5 =	sld [smem:$0x3FFB];
	_ =	sdelay $0x3  }
0x94: {  	_ =	strace s5  }
0x95: {  	s5 =	sld [smem:$0x3FFC];
	_ =	sdelay $0x3  }
0x96: {  	_ =	strace s5  }
0x97: {  	s5 =	sld [smem:$0x3FFD];
	_ =	sdelay $0x3  }
0x98: {  	_ =	strace s5  }
0x99: {  	_ =	strace $0x8FFFFFFF  }
0x9a: {  	s20 =	sld [smem:$0x3FDB];
	_ =	sdelay $0x1  }
0x9b: {  	s6 =	simm.s32 $_scs_section_size  }
0x9c: {  	s7 =	simm.s32 $_size__tile_overlayer_lowered;
	s8 =	simm.s32 $_tile_overlayer_lowered  }
0x9d: {  	s23 =	simm.s32 $0x1BFF;
	s22 =	sshll.u32 s8, $0x1;
	s5 =	sadd.s32 s6, s20  }
0x9e: {  	s9 =	simm.s32 $0x0;
	s21 =	sshll.u32 s7, $0x1;
	s7 =	sadd.s32 s22, s5  }
0x9f: {  	[timem:s9], [sflag:s23] =	dma.local [hbm:s7], s21  }
0xa0: {  	_ =	swait.ge [sflag:s23], s21  }
0xa1: {  	s6 =	ssub.s32 $0x0, s21;
	[sflag:s23] =	ssyncset.done $0x0  }
0xa2: {  	[sflag:s23] =	ssyncadd.s32 s6;
	_ =	sdelay $0x1  }
0xa3: {  	s24 =	simm.s32 $0x1B8B  }
0xa4: {  	_ =	swait.ge [sflag:s24], $0x1  }
0xa5: {  	[sflag:s24] =	ssyncset.done $0x0  }
0xa6: {  	s25 =	simm.s32 $0x1B8E;
	[sflag:s24] =	ssyncadd.s32 $0xFFFFFFFF  }
0xa7: {  	s26 =	simm.s32 $execute0_lowered;
	[smem:$0x3FD2] =	sst s25  }
0xa8: {  	s6 =	sshll.u32 s26, $0x1;
	_ =	strace $0x80000046;
	[dreg:$0x1] =	wrdreg $0xFFFFFFFF  }
0xa9: {  	s28 =	simm.s32 $_size_execute0_lowered;
	s5 =	sadd.s32 s5, s6;
	[dreg:$0x0] =	wrdreg $0x0  }
0xaa: {  	s6 =	sshll.u32 s28, $0x1;
	[dreg:$0x2] =	wrdreg s5  }
0xab: {  	[dreg:$0x3] =	wrdreg s6  }
0xac: {  	[dreg:$0x4] =	wrdreg $0xC0  }
0xad: {  	_ =	task [dreg:s9], $0x5FFFF  }
0xae: {  	[dreg:$0x1] =	wrdreg $0xFFFFFFFF  }
0xaf: {  	[dreg:$0x0] =	wrdreg $0x60  }
0xb0: {  	[dreg:$0x2] =	wrdreg s2  }
0xb1: {  	[dreg:$0x3] =	wrdreg s19  }
0xb2: {  	[dreg:$0x4] =	wrdreg s4  }
0xb3: {  	[dreg:$0x5] =	wrdreg $0x9  }
0xb4: {  	_ =	task.clear_ibuf [dreg:s9], $0x6FFFF;
	_ =	strace $0x90000046  }
0xb5: {  	s29 =	simm.s32 $0x9;
	_ =	strace $0x80000048  }
0xb6: {  	_ =	swait.ge [sflag:s29], $0x1  }
0xb7: {  	[sflag:s29] =	ssyncadd.s32 $0xFFFFFFFF  }
0xb8: {  	_ =	strace $0x90000048  }
0xb9: {  	_ =	sfence  }
0xba: {  	s30 =	sld [smem:$0x0];
	_ =	sdelay $0x2  }
0xbb: {  	s31 =	sshll.u32 s1, $0xD;
	s1 =	sshrl.u32 s1, $0x2  }
0xbc: {  	s3 =	sand.u32 $0x4000, s31;
	s1 =	sadd.s32 s1, s30  }
0xbd: {  	s0 =	sor.u32 s3, s0;
	s1 =	sshll.u32 s1, $0x11  }
0xbe: {  	s0 =	sor.u32 s1, s0  }
0xbf: {  	s0 =	sadd.s32 $0x8F2B, s0  }
0xc0: {  	[sflag:s0] =	ssyncadd.remote.s32 $0x1  }
0xc1: {  	_ =	sfence.sel $0xFFFF  }
0xc2: {  	[dreg:$0x0] =	wrdreg $0xFFFFFFFF;
	(pc) =	sbr.abs _section_cstart, $3  }
0xc3: {  	[dreg:$0x1] =	wrdreg $0xFFFFFFFF  }
0xc4: {  	_ =	task.clear_ibuf [dreg:s9], $0x2FFFF;
	_ =	strace $0x9FFFFFFF  }
0xc5: {  	(tm) =	ssettm $0x7FFFFFFF  }
tec
execute0_lowered:
.L_overlay_start_1:
0x0: {  	(tag) =	ssettag $0x1  }
0x1: {  	s2 =	stileid.u32  }
0x2: {  	s0 =	srdreg.scid;
	s1 =	sshll.u32 s2, $0x1  }
0x3: {  	s3 =	rddreg [dreg:$0x0];
	s0 =	sand.u32 $0x1, s0;
	s1 =	sand.u32 $0x6, s1  }
0x4: {  	s4 =	rddreg [dreg:$0x2];
	s2 =	sshll.u32 s2, $0x15;
	s1 =	sor.u32 s0, s1  }
0x5: {  	s5 =	simm.s32 $0x0;
	s2 =	sand.u32 $0x1800000, s2;
	s1 =	sshll.u32 s1, $0x14  }
0x6: {  	[smem:$0x7FF] =	sst s5;
	s6 =	sor.u32 s2, s1  }
0x7: {  	_ =	strace $0x80000047;
	s25 =	sor.u32 $0xC000, s6;
	[dreg:$0x4] =	wrdreg s6  }
0x8: {  	s26 =	sor.u32 $0x4000, s6;
	[dreg:$0x8] =	wrdreg s25  }
0x9: {  	s0 =	ssub.s32 $0x2, s0;
	s28 =	sor.u32 $0x10000, s6;
	[dreg:$0x9] =	wrdreg s26  }
0xa: {  	s23 =	sshrl.u32 s0, $0x1;
	s30 =	sor.u32 $0x8000, s6;
	[dreg:$0xa] =	wrdreg s28  }
0xb: {  	s0 =	ssub.s32 s0, s23;
	s31 =	sor.u32 $0x14000, s6;
	[dreg:$0xb] =	wrdreg s30  }
0xc: {  	s2 =	sshrl.u32 s6, $0x3;
	s0 =	smax.u32 s0, $0x1;
	[dreg:$0xc] =	wrdreg s31  }
0xd: {  	s24 =	sadd.s32 s3, s2;
	[dreg:$0xe] =	wrdreg s0  }
0xe: {  	s17 =	simm.s32 $0x800;
	s3 =	sadd.s32 $0x800, s24;
	[dreg:$0x5] =	wrdreg s24  }
0xf: {  	s29 =	sadd.s32 s2, s4;
	s1 =	sadd.s32 $0x1000, s24;
	[dreg:$0x6] =	wrdreg s3  }
0x10: {  	s18 =	simm.s32 $0x4800;
	[dreg:$0x7] =	wrdreg s1;
	s1 =	sadd.s32 $0x1F800, s29  }
0x11: {  	s19 =	simm.s32 $0x8800;
	s2 =	simm.s32 $0x0;
	[dreg:$0xd] =	wrdreg s1  }
.LBB2_1:
0x12: {  	[dreg:$0xf] =	wrdreg s2  }
0x13: {  	s0 =	rddreg [dreg:$0x5]  }
0x14: {  	[tilespmem:s17], [sflag:$0x1] =	stream.linear.gather [hbm4b:s0+s5], $0x4000, $0x38;
	[tilespmem:$0x18800] =	vst v63  }
0x15: {  	s28 =	rddreg [dreg:$0x6]  }
0x16: {  	[tilespmem:s18], [sflag:$0x2] =	stream.linear.gather [hbm4b:s28+s5], $0x4000, $0x38;
	[tilespmem:$0x18800] =	vst v63  }
0x17: {  	s29 =	rddreg [dreg:$0x7]  }
0x18: {  	[tilespmem:s19], [sflag:$0x3] =	stream.linear.gather [hbm4b:s29+s5], $0x4000, $0x38;
	[tilespmem:$0x18800] =	vst v63  }
0x19: {  	s30 =	rddreg [dreg:$0x1];
	s31 =	simm.s32 $0x7  }
0x1a: {  	[tilespmem:s5], [sflag:$0x7] =	stream.linear.gather [hbm4b:s30+s5], $0x800, $0x38;
	[tilespmem:$0x18800] =	vst v63  }
0x1b: {  	_ =	swait.ge [sflag:s31], $0x800  }
0x1c: {  	[sflag:s31] =	ssyncset.done $0x0  }
0x1d: {  	s2 =	simm.s32 $0x0;
	[sflag:s31] =	ssyncadd.s32 $0xFFFFF800  }
.LBB2_2:
0x1e: {  	s0 =	simm.s32 $0x1  }
0x1f: {  	_ =	swait.ge [sflag:s0], $0x4000  }
0x20: {  	p0 =	seq.s32 s2, $0x0;
	[sflag:s0] =	ssyncset.done $0x0  }
0x21: {  	s9 =	simm.s32 $0x0;
	[sflag:s0] =	ssyncadd.s32 $0xFFFFC000;
	s0 =	simm.s32 @!p0 $0x4  }
0x22: {  	s1 =	sand.u32 $0x60, s9;
	_ =	swait.ge @!p0 [sflag:s0], $0x4000  }
0x23: {  	s4 =	sand.u32 $0x780, s9;
	s3 =	sor.u32 $0x10, s1;
	[sflag:s0] =	ssyncset.done @!p0 $0x0  }
0x24: {  	s13 =	sor.u32 s3, s4;
	[sflag:s0] =	ssyncadd.s32 @!p0 $0xFFFFC000  }
0x25: {  	v0 =	vld [tilespmem:s13+$0x0];
	_ =	sdelay $0x3  }
0x26: {  	v2 =	vld [tilespmem:s9+$0x0]  }
0x27: {  	v1 =	vshll.u32 v0, $0x3  }
0x28: {  	v0 =	vand.u32 $0x7F, v0;
	v1 =	vand.u32 $0xFFFFFC00, v1  }
0x29: {  	s14 =	simm.s32 $0x20;
	v5 =	vor.u32 v0, v1  }
0x2a: {  	s15 =	sand.u32 $0x60, s14  }
0x2b: {  	s6 =	sand.u32 $0x780, s14;
	s7 =	sor.u32 $0x10, s15;
	v0 =	vshll.u32 v2, $0x3  }
0x2c: {  	s6 =	sor.u32 s7, s6;
	v1 =	vand.u32 $0x7F, v2;
	v0 =	vand.u32 $0xFFFFFC00, v0  }
0x2d: {  	v6 =	vor.u32 v1, v0;
	v0 =	vld [tilespmem:s6+$0x0]  }
0x2e: {  	v2 =	vld.idx.msk [tilespmem:v5+s17+$0x0], $0xffff  }
0x2f: {  	v1 =	vor.u32 $0x80, v5  }
0x30: {  	s20 =	sand.u32 $0x3C00, s9  }
0x31: {  	s8 =	sadd.s32 $0xC800, s20  }
0x32: {  	s6 =	sor.u32 s3, s8;
	v3 =	vld.idx.msk [tilespmem:v6+s17+$0x0], $0xffff  }
0x33: {  	v4 =	vor.u32 $0x80, v6;
	[tilespmem:s6+$0x0] =	vst v2;
	v2 =	vshll.u32 v0, $0x3  }
0x34: {  	v0 =	vand.u32 $0x7F, v0;
	v7 =	vld.idx.msk [tilespmem:v1+s17+$0x0], $0xffff;
	v1 =	vand.u32 $0xFFFFFC00, v2  }
0x35: {  	v1 =	vor.u32 v0, v1;
	v0 =	vld [tilespmem:s14+$0x0]  }
0x36: {  	s10 =	sor.u32 s1, s8  }
0x37: {  	s21 =	simm.s32 $0x40;
	v2 =	vor.u32 $0x100, v5;
	[tilespmem:s10+$0x0] =	vst v3  }
0x38: {  	s22 =	sand.u32 $0x60, s21;
	v3 =	vld.idx.msk [tilespmem:v4+s17+$0x0], $0xffff  }
0x39: {  	s11 =	sand.u32 $0x780, s21;
	s23 =	sor.u32 $0x10, s22;
	v8 =	vor.u32 $0x100, v6  }
0x3a: {  	s11 =	sor.u32 s23, s11;
	[tilespmem:s6+$0x80] =	vst v7;
	v7 =	vld.idx.msk [tilespmem:v1+s17+$0x0], $0xffff;
	v4 =	vshll.u32 v0, $0x3  }
0x3b: {  	v10 =	vld [tilespmem:s11+$0x0];
	s8 =	simm.s32 $0x100;
	v9 =	vor.u32 $0x80, v1;
	v0 =	vand.u32 $0x7F, v0;
	v4 =	vand.u32 $0xFFFFFC00, v4  }
0x3c: {  	s24 =	sand.u32 $0x3C00, s8;
	v2 =	vld.idx.msk [tilespmem:v2+s17+$0x0], $0xffff;
	v4 =	vor.u32 v0, v4  }
0x3d: {  	s11 =	sadd.s32 $0xC800, s24;
	[tilespmem:s10+$0x80] =	vst v3;
	v0 =	vor.u32 $0x180, v5  }
0x3e: {  	s16 =	sor.u32 s7, s11;
	v3 =	vld.idx.msk [tilespmem:v8+s17+$0x0], $0xffff  }
0x3f: {  	[tilespmem:s16+$0x0] =	vst v7;
	v7 =	vor.u32 $0x180, v6  }
0x40: {  	v8 =	vld.idx.msk [tilespmem:v9+s17+$0x0], $0xffff  }
0x41: {  	v11 =	vor.u32 $0x100, v1;
	[tilespmem:s6+$0x100] =	vst v2;
	v2 =	vshll.u32 v10, $0x3;
	v9 =	vld.idx.msk [tilespmem:v4+s17+$0x0], $0xffff  }
0x42: {  	v13 =	vor.u32 $0x80, v4;
	v2 =	vand.u32 $0xFFFFFC00, v2;
	v12 =	vld.idx.msk [tilespmem:v0+s17+$0x0], $0xffff;
	v0 =	vand.u32 $0x7F, v10  }
0x43: {  	[tilespmem:s10+$0x100] =	vst v3;
	v0 =	vor.u32 v0, v2;
	v2 =	vld [tilespmem:s21+$0x0]  }
0x44: {  	v3 =	vor.u32 $0x200, v5;
	v7 =	vld.idx.msk [tilespmem:v7+s17+$0x0], $0xffff  }
0x45: {  	s7 =	sor.u32 s15, s11;
	[tilespmem:s16+$0x80] =	vst v8;
	v8 =	vor.u32 $0x200, v6  }
0x46: {  	[tilespmem:s7+$0x0] =	vst v9;
	v9 =	vld.idx.msk [tilespmem:v11+s17+$0x0], $0xffff  }
0x47: {  	s25 =	simm.s32 $0x60;
	v11 =	vor.u32 $0x180, v1;
	v10 =	vld.idx.msk [tilespmem:v13+s17+$0x0], $0xffff  }
0x48: {  	s29 =	sand.u32 $0x60, s25;
	s0 =	simm.s32 $0x200;
	v14 =	vor.u32 $0x100, v4;
	[tilespmem:s6+$0x180] =	vst v12;
	v12 =	vld.idx.msk [tilespmem:v0+s17+$0x0], $0xffff  }
0x49: {  	s12 =	sand.u32 $0x780, s25;
	s26 =	sor.u32 $0x10, s29;
	s13 =	sand.u32 $0x3C00, s0;
	v15 =	vor.u32 $0x80, v0;
	v13 =	vshll.u32 v2, $0x3;
	v3 =	vld.idx.msk [tilespmem:v3+s17+$0x0], $0xffff;
	[tilespmem:s10+$0x180] =	vst v7  }
0x4a: {  	s12 =	sor.u32 s26, s12;
	s13 =	sadd.s32 $0xC800, s13;
	v2 =	vand.u32 $0x7F, v2;
	v13 =	vand.u32 $0xFFFFFC00, v13;
	v7 =	vld.idx.msk [tilespmem:v8+s17+$0x0], $0xffff  }
0x4b: {  	s15 =	sor.u32 s22, s13;
	s22 =	simm.s32 $0x80;
	v2 =	vor.u32 v2, v13;
	v8 =	vld [tilespmem:s12+$0x0];
	[tilespmem:s16+$0x100] =	vst v9  }
0x4c: {  	s3 =	sor.u32 s23, s13;
	s12 =	sand.u32 $0x60, s22;
	v9 =	vor.u32 $0x280, v6;
	[tilespmem:s7+$0x80] =	vst v10;
	v10 =	vld.idx.msk [tilespmem:v11+s17+$0x0], $0xffff  }
0x4d: {  	s14 =	sand.u32 $0x780, s22;
	s24 =	sor.u32 $0x10, s12;
	v11 =	vor.u32 $0x280, v5;
	[tilespmem:s3+$0x0] =	vst v12;
	v12 =	vld.idx.msk [tilespmem:v14+s17+$0x0], $0xffff  }
0x4e: {  	s1 =	sor.u32 s24, s14;
	v14 =	vld.idx.msk [tilespmem:v15+s17+$0x0], $0xffff  }
0x4f: {  	v13 =	vor.u32 $0x200, v1;
	v20 =	vld [tilespmem:s1+$0x0]  }
0x50: {  	v16 =	vor.u32 $0x180, v4;
	v15 =	vld.idx.msk [tilespmem:v2+s17+$0x0], $0xffff;
	[tilespmem:s10+$0x200] =	vst v7  }
0x51: {  	[tilespmem:s6+$0x200] =	vst v3;
	v3 =	vshll.u32 v8, $0x3;
	v7 =	vor.u32 $0x100, v0;
	v9 =	vld.idx.msk [tilespmem:v9+s17+$0x0], $0xffff  }
0x52: {  	v17 =	vor.u32 $0x80, v2;
	v8 =	vand.u32 $0x7F, v8;
	v3 =	vand.u32 $0xFFFFFC00, v3;
	[tilespmem:s16+$0x180] =	vst v10;
	v10 =	vld.idx.msk [tilespmem:v11+s17+$0x0], $0xffff  }
0x53: {  	v3 =	vor.u32 v8, v3;
	v11 =	vld [tilespmem:s25+$0x0]  }
0x54: {  	v8 =	vld.idx.msk [tilespmem:v13+s17+$0x0], $0xffff;
	[tilespmem:s7+$0x100] =	vst v12;
	v12 =	vor.u32 $0x300, v5  }
0x55: {  	[tilespmem:s3+$0x80] =	vst v14;
	v13 =	vor.u32 $0x300, v6;
	v14 =	vld.idx.msk [tilespmem:v16+s17+$0x0], $0xffff  }
0x56: {  	[tilespmem:s15+$0x0] =	vst v15;
	v16 =	vor.u32 $0x200, v4;
	v7 =	vld.idx.msk [tilespmem:v7+s17+$0x0], $0xffff  }
0x57: {  	v18 =	vor.u32 $0x180, v0;
	v15 =	vld.idx.msk [tilespmem:v17+s17+$0x0], $0xffff;
	[tilespmem:s10+$0x280] =	vst v9  }
0x58: {  	v9 =	vor.u32 $0x100, v2;
	v17 =	vld.idx.msk [tilespmem:v3+s17+$0x0], $0xffff;
	[tilespmem:s6+$0x280] =	vst v10  }
0x59: {  	s20 =	sand.u32 $0x3, s9;
	s9 =	simm.s32 $0x300;
	v10 =	vld.idx.msk [tilespmem:v12+s17+$0x0], $0xffff;
	v12 =	vor.u32 $0x80, v3  }
0x5a: {  	s4 =	sshll.u32 s20, $0x5;
	v21 =	vor.u32 $0x380, v5;
	s21 =	sand.u32 $0x3C00, s9;
	v19 =	vshll.u32 v11, $0x3;
	v13 =	vld.idx.msk [tilespmem:v13+s17+$0x0], $0xffff;
	[tilespmem:s7+$0x180] =	vst v14  }
0x5b: {  	s13 =	sadd.s32 $0x0, s4;
	v6 =	vor.u32 $0x380, v6;
	s10 =	sadd.s32 $0xC800, s21;
	v11 =	vand.u32 $0x7F, v11;
	v5 =	vand.u32 $0xFFFFFC00, v19;
	[tilespmem:s3+$0x100] =	vst v7;
	v7 =	vld.idx.msk [tilespmem:v16+s17+$0x0], $0xffff  }
0x5c: {  	s1 =	sadd.s32 $0x10, s13;
	s31 =	sor.u32 s26, s10;
	v5 =	vor.u32 v11, v5;
	[tilespmem:s15+$0x80] =	vst v15;
	v16 =	vld.idx.msk [tilespmem:v18+s17+$0x0], $0xffff  }
0x5d: {  	s23 =	sor.u32 $0x300, s1;
	v19 =	vor.u32 $0x280, v4;
	v14 =	vld.idx.msk [tilespmem:v9+s17+$0x0], $0xffff;
	[tilespmem:s31+$0x0] =	vst v17  }
0x5e: {  	s25 =	sor.u32 $0x300, s13;
	v17 =	vor.u32 $0x280, v1;
	v15 =	vld.idx.msk [tilespmem:v12+s17+$0x0], $0xffff;
	[tilespmem:s23+$0xC800] =	vst v10  }
0x5f: {  	v18 =	vor.u32 $0x200, v0;
	[tilespmem:s25+$0xC800] =	vst v13;
	v12 =	vld.idx.msk [tilespmem:v21+s17+$0x0], $0xffff  }
0x60: {  	s30 =	simm.s32 $0x2;
	[tilespmem:s16+$0x200] =	vst v8;
	v11 =	vld.idx.msk [tilespmem:v6+s17+$0x0], $0xffff  }
0x61: {  	s20 =	simm.s32 $0x400;
	s11 =	simm.s32 $0xA0;
	s26 =	simm.s32 $0x1;
	v8 =	vor.u32 $0x80, v5;
	v9 =	vshll.u32 v20, $0x3;
	v10 =	vor.u32 $0x180, v2;
	v13 =	vld.idx.msk [tilespmem:v5+s17+$0x0], $0xffff;
	[tilespmem:s7+$0x200] =	vst v7  }
0x62: {  	s14 =	simm.s32 $0x8;
	s6 =	simm.s32 $0xA0;
	s28 =	sand.u32 $0x3, s26;
	v6 =	vand.u32 $0x7F, v20;
	v7 =	vand.u32 $0xFFFFFC00, v9;
	v9 =	vor.u32 $0x100, v3;
	[tilespmem:s3+$0x180] =	vst v16;
	v16 =	vld.idx.msk [tilespmem:v19+s17+$0x0], $0xffff  }
.LBB2_3:
0x63: {  	s4 =	sand.u32 $0x60, s11;
	s14 =	sadd.s32 $0x2, s14;
	[tilespmem:s15+$0x100] =	vst v14;
	v14 =	vld.idx.msk [tilespmem:v17+s17+$0x0], $0xffff;
	s13 =	sor.u32 $0x380, s13  }
0x64: {  	s23 =	sand.u32 $0x780, s11;
	v6 =	vor.u32 v6, v7;
	s1 =	sor.u32 $0x380, s1;
	s26 =	sor.u32 $0x10, s4;
	[tilespmem:s31+$0x80] =	vst v15;
	v7 =	vld.idx.msk [tilespmem:v18+s17+$0x0], $0xffff  }
0x65: {  	s25 =	sand.u32 $0x3, s30;
	v17 =	vor.u32 $0x300, v4;
	p1 =	slt.u32 s14, $0x7E;
	v18 =	vor.u32 $0x300, v1;
	s23 =	sor.u32 s26, s23;
	v15 =	vld [tilespmem:s22+$0x0];
	[tilespmem:s1+$0xC800] =	vst v12  }
0x66: {  	s1 =	sor.u32 s29, s10;
	s29 =	smov.u32 s12;
	s12 =	smov.u32 s4;
	v10 =	vld.idx.msk [tilespmem:v10+s17+$0x0], $0xffff;
	[tilespmem:s13+$0xC800] =	vst v11  }
0x67: {  	s22 =	smov.u32 s6;
	[tilespmem:s1+$0x0] =	vst v13;
	v9 =	vld.idx.msk [tilespmem:v9+s17+$0x0], $0xffff  }
0x68: {  	v11 =	vor.u32 $0x200, v2;
	v8 =	vld.idx.msk [tilespmem:v8+s17+$0x0], $0xffff;
	[tilespmem:s7+$0x280] =	vst v16;
	s7 =	smov.u32 s15;
	s15 =	smov.u32 s1  }
0x69: {  	v13 =	vor.u32 $0x180, v3;
	v12 =	vld.idx.msk [tilespmem:v6+s17+$0x0], $0xffff;
	[tilespmem:s16+$0x280] =	vst v14;
	s16 =	smov.u32 s3;
	s3 =	smov.u32 s31  }
0x6a: {  	v16 =	vor.u32 $0x100, v5;
	v14 =	vshll.u32 v15, $0x3;
	[tilespmem:s16+$0x200] =	vst v7;
	v7 =	vld.idx.msk [tilespmem:v18+s17+$0x0], $0xffff  }
0x6b: {  	v18 =	vor.u32 $0x80, v6;
	v14 =	vand.u32 $0xFFFFFC00, v14;
	v19 =	vld.idx.msk [tilespmem:v17+s17+$0x0], $0xffff  }
0x6c: {  	v21 =	vor.u32 $0x380, v1;
	v1 =	vmovc v0;
	v0 =	vmovc v3;
	s4 =	sshll.u32 s28, $0x5;
	s28 =	smov.u32 s25;
	v3 =	vmov v6;
	s1 =	sand.u32 $0x3C00, s20;
	v20 =	vld [tilespmem:s23+$0x0];
	[tilespmem:s7+$0x180] =	vst v10;
	v10 =	vor.u32 $0x380, v4  }
0x6d: {  	s13 =	sadd.s32 s4, s8;
	s8 =	smov.u32 s0;
	s10 =	sadd.s32 $0xC800, s1;
	v6 =	vand.u32 $0x7F, v15;
	v4 =	vmov v2;
	v2 =	vmov v5;
	[tilespmem:s3+$0x100] =	vst v9;
	v9 =	vld.idx.msk [tilespmem:v11+s17+$0x0], $0xffff  }
0x6e: {  	s1 =	sadd.s32 $0x10, s13;
	s31 =	sor.u32 s24, s10;
	s24 =	smov.u32 s26;
	v5 =	vor.u32 v6, v14;
	[tilespmem:s15+$0x80] =	vst v8;
	v22 =	vld.idx.msk [tilespmem:v13+s17+$0x0], $0xffff  }
0x6f: {  	s0 =	smov.u32 s9;
	s4 =	sor.u32 $0x300, s13;
	s23 =	sor.u32 $0x300, s1;
	v8 =	vor.u32 $0x80, v5;
	[tilespmem:s31+$0x0] =	vst v12;
	v14 =	vld.idx.msk [tilespmem:v16+s17+$0x0], $0xffff;
	v16 =	vor.u32 $0x280, v4  }
.Ltmp0:
0x70: {  	s9 =	smov.u32 s20;
	v17 =	vor.u32 $0x280, v1;
	v15 =	vld.idx.msk [tilespmem:v18+s17+$0x0], $0xffff;
	[tilespmem:s23+$0xC800] =	vst v7;
	(pc) =	sbr.rel @p1 .LBB2_3-.Ltmp0, $4  }
0x71: {  	v18 =	vor.u32 $0x200, v0;
	v6 =	vand.u32 $0x7F, v20;
	v7 =	vshll.u32 v20, $0x3;
	[tilespmem:s4+$0xC800] =	vst v19;
	v12 =	vld.idx.msk [tilespmem:v21+s17+$0x0], $0xffff  }
0x72: {  	v7 =	vand.u32 $0xFFFFFC00, v7;
	v11 =	vld.idx.msk [tilespmem:v10+s17+$0x0], $0xffff  }
0x73: {  	s30 =	sadd.s32 $0x1, s30;
	v10 =	vor.u32 $0x180, v2;
	v13 =	vld.idx.msk [tilespmem:v5+s17+$0x0], $0xffff;
	[tilespmem:s7+$0x200] =	vst v9  }
0x74: {  	s11 =	sadd.s32 $0x20, s11;
	s6 =	sadd.s32 $0x20, s6;
	s20 =	sadd.s32 $0x100, s20;
	v9 =	vor.u32 $0x100, v3;
	[tilespmem:s3+$0x180] =	vst v22;
	v16 =	vld.idx.msk [tilespmem:v16+s17+$0x0], $0xffff  }
0x75: {  	v19 =	vld [tilespmem:s22+$0x0];
	_ =	sdelay $0x4  }
0x76: {  	v20 =	vshll.u32 v19, $0x3  }
0x77: {  	v7 =	vor.u32 v6, v7;
	v19 =	vand.u32 $0x7F, v19;
	v6 =	vand.u32 $0xFFFFFC00, v20  }
0x78: {  	v6 =	vor.u32 v19, v6  }
0x79: {  	s11 =	sor.u32 s29, s10  }
0x7a: {  	v17 =	vld.idx.msk [tilespmem:v17+s17+$0x0], $0xffff;
	[tilespmem:s11+$0x0] =	vst v13  }
0x7b: {  	[tilespmem:s15+$0x100] =	vst v14;
	v8 =	vld.idx.msk [tilespmem:v8+s17+$0x0], $0xffff  }
0x7c: {  	[tilespmem:s31+$0x80] =	vst v15;
	s1 =	sor.u32 $0x380, s1;
	v13 =	vor.u32 $0x300, v1;
	v14 =	vld.idx.msk [tilespmem:v7+s17+$0x0], $0xffff  }
0x7d: {  	s4 =	sor.u32 $0x380, s13;
	v15 =	vor.u32 $0x80, v7;
	[tilespmem:s1+$0xC800] =	vst v12;
	v19 =	vld.idx.msk [tilespmem:v6+s17+$0x0], $0xffff  }
0x7e: {  	s22 =	sand.u32 $0x3C00, s20;
	[tilespmem:s4+$0xC800] =	vst v11;
	v12 =	vor.u32 $0x80, v6  }
0x7f: {  	s1 =	sadd.s32 $0xC800, s22;
	v9 =	vld.idx.msk [tilespmem:v9+s17+$0x0], $0xffff;
	[tilespmem:s16+$0x280] =	vst v17  }
0x80: {  	v11 =	vld.idx.msk [tilespmem:v18+s17+$0x0], $0xffff;
	s23 =	sor.u32 s24, s1;
	[tilespmem:s11+$0x80] =	vst v8  }
0x81: {  	s6 =	sor.u32 s12, s1;
	v13 =	vld.idx.msk [tilespmem:v13+s17+$0x0], $0xffff;
	[tilespmem:s23+$0x0] =	vst v14;
	v14 =	vor.u32 $0x100, v5  }
0x82: {  	s24 =	sshll.u32 s28, $0x5;
	v8 =	vor.u32 $0x180, v3;
	v15 =	vld.idx.msk [tilespmem:v15+s17+$0x0], $0xffff;
	[tilespmem:s6+$0x0] =	vst v19  }
0x83: {  	s1 =	sadd.s32 s24, s8;
	[tilespmem:s7+$0x280] =	vst v16;
	v16 =	vor.u32 $0x100, v7;
	v12 =	vld.idx.msk [tilespmem:v12+s17+$0x0], $0xffff  }
0x84: {  	v10 =	vld.idx.msk [tilespmem:v10+s17+$0x0], $0xffff;
	s25 =	sadd.s32 $0x10, s1;
	[tilespmem:s31+$0x100] =	vst v9;
	v17 =	vor.u32 $0x100, v6  }
0x85: {  	s26 =	sor.u32 $0x300, s25;
	[tilespmem:s3+$0x200] =	vst v11;
	v11 =	vor.u32 $0x200, v2  }
0x86: {  	v18 =	vor.u32 $0x300, v4;
	[tilespmem:s26+$0xC800] =	vst v13;
	v14 =	vld.idx.msk [tilespmem:v14+s17+$0x0], $0xffff  }
0x87: {  	v8 =	vld.idx.msk [tilespmem:v8+s17+$0x0], $0xffff;
	[tilespmem:s23+$0x80] =	vst v15;
	v15 =	vor.u32 $0x180, v5  }
0x88: {  	v13 =	vor.u32 $0x200, v3;
	v16 =	vld.idx.msk [tilespmem:v16+s17+$0x0], $0xffff;
	[tilespmem:s6+$0x80] =	vst v12  }
0x89: {  	[tilespmem:s15+$0x180] =	vst v10;
	v10 =	vor.u32 $0x180, v7;
	v12 =	vld.idx.msk [tilespmem:v17+s17+$0x0], $0xffff  }
0x8a: {  	v9 =	vor.u32 $0x180, v6;
	v11 =	vld.idx.msk [tilespmem:v11+s17+$0x0], $0xffff  }
0x8b: {  	v1 =	vor.u32 $0x380, v1;
	[tilespmem:s11+$0x100] =	vst v14;
	v17 =	vld.idx.msk [tilespmem:v18+s17+$0x0], $0xffff  }
0x8c: {  	v4 =	vor.u32 $0x380, v4;
	[tilespmem:s31+$0x180] =	vst v8;
	v14 =	vld.idx.msk [tilespmem:v15+s17+$0x0], $0xffff  }
0x8d: {  	v13 =	vld.idx.msk [tilespmem:v13+s17+$0x0], $0xffff;
	v15 =	vor.u32 $0x200, v5;
	[tilespmem:s23+$0x100] =	vst v16  }
0x8e: {  	v8 =	vor.u32 $0x280, v2;
	v10 =	vld.idx.msk [tilespmem:v10+s17+$0x0], $0xffff;
	[tilespmem:s6+$0x100] =	vst v12  }
0x8f: {  	s8 =	sor.u32 $0x300, s1;
	[tilespmem:s15+$0x200] =	vst v11;
	v12 =	vor.u32 $0x200, v7;
	v9 =	vld.idx.msk [tilespmem:v9+s17+$0x0], $0xffff  }
0x90: {  	v1 =	vld.idx.msk [tilespmem:v1+s17+$0x0], $0xffff;
	v11 =	vor.u32 $0x200, v6;
	[tilespmem:s8+$0xC800] =	vst v17  }
0x91: {  	v16 =	vor.u32 $0x280, v0;
	[tilespmem:s11+$0x180] =	vst v14;
	v4 =	vld.idx.msk [tilespmem:v4+s17+$0x0], $0xffff  }
0x92: {  	[tilespmem:s31+$0x200] =	vst v13;
	v14 =	vld.idx.msk [tilespmem:v15+s17+$0x0], $0xffff;
	v15 =	vor.u32 $0x280, v3  }
0x93: {  	v8 =	vld.idx.msk [tilespmem:v8+s17+$0x0], $0xffff;
	[tilespmem:s23+$0x180] =	vst v10;
	v10 =	vor.u32 $0x280, v5  }
0x94: {  	s4 =	sor.u32 $0x380, s25;
	v13 =	vor.u32 $0x300, v2;
	v12 =	vld.idx.msk [tilespmem:v12+s17+$0x0], $0xffff;
	[tilespmem:s6+$0x180] =	vst v9  }
0x95: {  	s1 =	sor.u32 $0x380, s1;
	[tilespmem:s4+$0xC800] =	vst v1;
	v9 =	vor.u32 $0x280, v7;
	v1 =	vld.idx.msk [tilespmem:v11+s17+$0x0], $0xffff  }
0x96: {  	[tilespmem:s1+$0xC800] =	vst v4;
	v4 =	vor.u32 $0x280, v6;
	v11 =	vld.idx.msk [tilespmem:v16+s17+$0x0], $0xffff  }
0x97: {  	[tilespmem:s11+$0x200] =	vst v14;
	v14 =	vld.idx.msk [tilespmem:v15+s17+$0x0], $0xffff;
	v16 =	vor.u32 $0x300, v0  }
0x98: {  	[tilespmem:s15+$0x280] =	vst v8;
	v15 =	vor.u32 $0x300, v3;
	v10 =	vld.idx.msk [tilespmem:v10+s17+$0x0], $0xffff  }
0x99: {  	v13 =	vld.idx.msk [tilespmem:v13+s17+$0x0], $0xffff;
	[tilespmem:s23+$0x200] =	vst v12;
	v12 =	vor.u32 $0x300, v5  }
0x9a: {  	s12 =	sand.u32 $0x3, s30;
	v2 =	vor.u32 $0x380, v2;
	[tilespmem:s6+$0x200] =	vst v1;
	v1 =	vld.idx.msk [tilespmem:v9+s17+$0x0], $0xffff  }
0x9b: {  	s1 =	sshll.u32 s12, $0x5;
	[tilespmem:s3+$0x280] =	vst v11;
	v9 =	vor.u32 $0x300, v7;
	v4 =	vld.idx.msk [tilespmem:v4+s17+$0x0], $0xffff  }
0x9c: {  	s13 =	sadd.s32 $0x1, s30;
	s0 =	sadd.s32 s1, s0;
	[tilespmem:s31+$0x280] =	vst v14;
	v11 =	vor.u32 $0x300, v6;
	v8 =	vld.idx.msk [tilespmem:v16+s17+$0x0], $0xffff  }
0x9d: {  	s14 =	sand.u32 $0x3, s13;
	v0 =	vor.u32 $0x380, v0;
	s16 =	sor.u32 $0x300, s0;
	[tilespmem:s11+$0x280] =	vst v10;
	v10 =	vld.idx.msk [tilespmem:v15+s17+$0x0], $0xffff  }
0x9e: {  	s4 =	sshll.u32 s14, $0x5;
	v3 =	vor.u32 $0x380, v3;
	[tilespmem:s16+$0xC800] =	vst v13;
	v12 =	vld.idx.msk [tilespmem:v12+s17+$0x0], $0xffff  }
0x9f: {  	s4 =	sadd.s32 s4, s9;
	s1 =	sadd.s32 $0x10, s0;
	v2 =	vld.idx.msk [tilespmem:v2+s17+$0x0], $0xffff;
	s3 =	sadd.s32 $0x1, s13;
	[tilespmem:s23+$0x280] =	vst v1;
	v1 =	vor.u32 $0x380, v5  }
0xa0: {  	s21 =	sadd.s32 $0x10, s4;
	s15 =	sor.u32 $0x300, s1;
	s3 =	sand.u32 $0x3, s3;
	[tilespmem:s6+$0x280] =	vst v4;
	v4 =	vld.idx.msk [tilespmem:v9+s17+$0x0], $0xffff  }
0xa1: {  	s22 =	sor.u32 $0x300, s21;
	v7 =	vor.u32 $0x380, v7;
	s3 =	sshll.u32 s3, $0x5;
	[tilespmem:s15+$0xC800] =	vst v8;
	v5 =	vld.idx.msk [tilespmem:v11+s17+$0x0], $0xffff  }
0xa2: {  	v6 =	vor.u32 $0x380, v6;
	[tilespmem:s22+$0xC800] =	vst v10;
	s3 =	sadd.s32 s3, s20;
	s23 =	sor.u32 $0x300, s4;
	v0 =	vld.idx.msk [tilespmem:v0+s17+$0x0], $0xffff  }
0xa3: {  	s0 =	sor.u32 $0x380, s0;
	v3 =	vld.idx.msk [tilespmem:v3+s17+$0x0], $0xffff;
	s24 =	sadd.s32 $0x10, s3;
	[tilespmem:s23+$0xC800] =	vst v12  }
0xa4: {  	[tilespmem:s0+$0xC800] =	vst v2;
	s25 =	sor.u32 $0x300, s24;
	v1 =	vld.idx.msk [tilespmem:v1+s17+$0x0], $0xffff  }
0xa5: {  	s26 =	sor.u32 $0x300, s3;
	[tilespmem:s25+$0xC800] =	vst v4  }
0xa6: {  	s1 =	sor.u32 $0x380, s1;
	[tilespmem:s26+$0xC800] =	vst v5;
	v4 =	vld.idx.msk [tilespmem:v7+s17+$0x0], $0xffff  }
0xa7: {  	s9 =	sor.u32 $0x380, s21;
	[tilespmem:s1+$0xC800] =	vst v0;
	v0 =	vld.idx.msk [tilespmem:v6+s17+$0x0], $0xffff  }
0xa8: {  	s4 =	sor.u32 $0x380, s4;
	[tilespmem:s9+$0xC800] =	vst v3  }
0xa9: {  	s0 =	smul.u32 $0xC000, s2;
	[tilespmem:s4+$0xC800] =	vst v1  }
0xaa: {  	s10 =	sor.u32 $0x380, s24;
	s4 =	rddreg [dreg:$0x4]  }
0xab: {  	s3 =	sor.u32 $0x380, s3;
	s4 =	sadd.s32 s0, s4;
	[tilespmem:s10+$0xC800] =	vst v4  }
0xac: {  	s12 =	rddreg [dreg:$0x2];
	s11 =	sshrl.u32 s4, $0x3;
	[tilespmem:s3+$0xC800] =	vst v0  }
0xad: {  	s13 =	simm.s32 $0xC800;
	s1 =	sadd.s32 s12, s11;
	s14 =	rddreg [dreg:$0x8]  }
0xae: {  	[hbm4b:s1+s5] =	stream.linear.scatter [tilespmem:s13], [sflag:$0x4], $0x4000, $0x38;
	[tilespmem:$0x18800] =	vst v63  }
0xaf: {  	s1 =	sadd.s32 s0, s14  }
0xb0: {  	s15 =	rddreg [dreg:$0x0];
	s1 =	sshrl.u32 s1, $0x3  }
0xb1: {  	s16 =	simm.s32 $0x2;
	s1 =	sadd.s32 s15, s1  }
0xb2: {  	[tilespmem:s17], [sflag:$0x1] =	stream.linear.gather [hbm4b:s1+s5], $0x4000, $0x38;
	[tilespmem:$0x18800] =	vst v63  }
0xb3: {  	_ =	swait.ge [sflag:s16], $0x4000  }
0xb4: {  	[sflag:s16] =	ssyncset.done $0x0  }
0xb5: {  	s12 =	simm.s32 $0x0;
	s1 =	simm.s32 @!p0 $0x5;
	[sflag:s16] =	ssyncadd.s32 $0xFFFFC000  }
0xb6: {  	s20 =	sand.u32 $0x60, s12;
	_ =	swait.ge @!p0 [sflag:s1], $0x4000  }
0xb7: {  	s22 =	sand.u32 $0x780, s12;
	s21 =	sor.u32 $0x10, s20;
	[sflag:s1] =	ssyncset.done @!p0 $0x0  }
0xb8: {  	s23 =	sor.u32 s21, s22;
	[sflag:s1] =	ssyncadd.s32 @!p0 $0xFFFFC000  }
0xb9: {  	v0 =	vld [tilespmem:s23+$0x0];
	_ =	sdelay $0x3  }
0xba: {  	v2 =	vld [tilespmem:s12+$0x0]  }
0xbb: {  	v1 =	vshll.u32 v0, $0x3  }
0xbc: {  	v0 =	vand.u32 $0x7F, v0;
	v1 =	vand.u32 $0xFFFFFC00, v1  }
0xbd: {  	s24 =	simm.s32 $0x20;
	v5 =	vor.u32 v0, v1  }
0xbe: {  	s25 =	sand.u32 $0x60, s24  }
0xbf: {  	s26 =	sor.u32 $0x10, s25;
	s10 =	sand.u32 $0x780, s24;
	v0 =	vshll.u32 v2, $0x3  }
0xc0: {  	s8 =	sor.u32 s26, s10;
	v1 =	vand.u32 $0x7F, v2;
	v0 =	vand.u32 $0xFFFFFC00, v0  }
0xc1: {  	v6 =	vor.u32 v1, v0;
	v0 =	vld [tilespmem:s8+$0x0]  }
0xc2: {  	v2 =	vld.idx.msk [tilespmem:v5+s18+$0x0], $0xffff  }
0xc3: {  	v1 =	vor.u32 $0x80, v5  }
0xc4: {  	s11 =	sand.u32 $0x3C00, s12  }
0xc5: {  	s8 =	sadd.s32 $0x10800, s11  }
0xc6: {  	s6 =	sor.u32 s21, s8;
	v3 =	vld.idx.msk [tilespmem:v6+s18+$0x0], $0xffff  }
0xc7: {  	v4 =	vor.u32 $0x80, v6;
	[tilespmem:s6+$0x0] =	vst v2;
	v2 =	vshll.u32 v0, $0x3  }
0xc8: {  	v0 =	vand.u32 $0x7F, v0;
	v7 =	vld.idx.msk [tilespmem:v1+s18+$0x0], $0xffff;
	v1 =	vand.u32 $0xFFFFFC00, v2  }
0xc9: {  	v1 =	vor.u32 v0, v1;
	v0 =	vld [tilespmem:s24+$0x0]  }
0xca: {  	s13 =	sor.u32 s20, s8  }
0xcb: {  	s15 =	simm.s32 $0x40;
	v2 =	vor.u32 $0x100, v5;
	[tilespmem:s13+$0x0] =	vst v3  }
0xcc: {  	s16 =	sand.u32 $0x60, s15;
	v3 =	vld.idx.msk [tilespmem:v4+s18+$0x0], $0xffff  }
0xcd: {  	s22 =	sand.u32 $0x780, s15;
	v8 =	vor.u32 $0x100, v6;
	s21 =	sor.u32 $0x10, s16  }
0xce: {  	s11 =	sor.u32 s21, s22;
	[tilespmem:s6+$0x80] =	vst v7;
	v7 =	vld.idx.msk [tilespmem:v1+s18+$0x0], $0xffff;
	v4 =	vshll.u32 v0, $0x3  }
0xcf: {  	s9 =	simm.s32 $0x100;
	v10 =	vld [tilespmem:s11+$0x0];
	v9 =	vor.u32 $0x80, v1;
	v0 =	vand.u32 $0x7F, v0;
	v4 =	vand.u32 $0xFFFFFC00, v4  }
0xd0: {  	s23 =	sand.u32 $0x3C00, s9;
	v2 =	vld.idx.msk [tilespmem:v2+s18+$0x0], $0xffff;
	v4 =	vor.u32 v0, v4  }
0xd1: {  	s11 =	sadd.s32 $0x10800, s23;
	[tilespmem:s13+$0x80] =	vst v3;
	v0 =	vor.u32 $0x180, v5  }
0xd2: {  	s7 =	sor.u32 s26, s11;
	v3 =	vld.idx.msk [tilespmem:v8+s18+$0x0], $0xffff  }
0xd3: {  	[tilespmem:s7+$0x0] =	vst v7;
	v7 =	vor.u32 $0x180, v6  }
0xd4: {  	v8 =	vld.idx.msk [tilespmem:v9+s18+$0x0], $0xffff  }
0xd5: {  	v11 =	vor.u32 $0x100, v1;
	[tilespmem:s6+$0x100] =	vst v2;
	v2 =	vshll.u32 v10, $0x3;
	v9 =	vld.idx.msk [tilespmem:v4+s18+$0x0], $0xffff  }
0xd6: {  	v13 =	vor.u32 $0x80, v4;
	v2 =	vand.u32 $0xFFFFFC00, v2;
	v12 =	vld.idx.msk [tilespmem:v0+s18+$0x0], $0xffff;
	v0 =	vand.u32 $0x7F, v10  }
0xd7: {  	[tilespmem:s13+$0x100] =	vst v3;
	v0 =	vor.u32 v0, v2;
	v2 =	vld [tilespmem:s15+$0x0]  }
0xd8: {  	v3 =	vor.u32 $0x200, v5;
	v7 =	vld.idx.msk [tilespmem:v7+s18+$0x0], $0xffff  }
0xd9: {  	s20 =	sor.u32 s25, s11;
	[tilespmem:s7+$0x80] =	vst v8;
	v8 =	vor.u32 $0x200, v6  }
0xda: {  	[tilespmem:s20+$0x0] =	vst v9;
	v9 =	vld.idx.msk [tilespmem:v11+s18+$0x0], $0xffff  }
0xdb: {  	s24 =	simm.s32 $0x60;
	v11 =	vor.u32 $0x180, v1;
	v10 =	vld.idx.msk [tilespmem:v13+s18+$0x0], $0xffff  }
0xdc: {  	s29 =	sand.u32 $0x60, s24;
	v14 =	vor.u32 $0x100, v4;
	[tilespmem:s6+$0x180] =	vst v12;
	v12 =	vld.idx.msk [tilespmem:v0+s18+$0x0], $0xffff;
	v13 =	vshll.u32 v2, $0x3  }
0xdd: {  	s3 =	simm.s32 $0x200;
	s26 =	sand.u32 $0x780, s24;
	s25 =	sor.u32 $0x10, s29;
	v15 =	vor.u32 $0x80, v0;
	v3 =	vld.idx.msk [tilespmem:v3+s18+$0x0], $0xffff;
	v2 =	vand.u32 $0x7F, v2;
	v13 =	vand.u32 $0xFFFFFC00, v13;
	[tilespmem:s13+$0x180] =	vst v7  }
0xde: {  	s14 =	sand.u32 $0x3C00, s3;
	s8 =	sor.u32 s25, s26;
	v2 =	vor.u32 v2, v13;
	v7 =	vld.idx.msk [tilespmem:v8+s18+$0x0], $0xffff  }
0xdf: {  	s14 =	sadd.s32 $0x10800, s14;
	v8 =	vld [tilespmem:s8+$0x0];
	[tilespmem:s7+$0x100] =	vst v9;
	v9 =	vor.u32 $0x280, v6  }
0xe0: {  	s8 =	sor.u32 s21, s14;
	[tilespmem:s20+$0x80] =	vst v10;
	v10 =	vld.idx.msk [tilespmem:v11+s18+$0x0], $0xffff;
	v11 =	vor.u32 $0x280, v5  }
0xe1: {  	[tilespmem:s8+$0x0] =	vst v12;
	v12 =	vld.idx.msk [tilespmem:v14+s18+$0x0], $0xffff  }
0xe2: {  	v13 =	vor.u32 $0x200, v1;
	v14 =	vld.idx.msk [tilespmem:v15+s18+$0x0], $0xffff  }
0xe3: {  	v16 =	vor.u32 $0x180, v4;
	v15 =	vld.idx.msk [tilespmem:v2+s18+$0x0], $0xffff;
	[tilespmem:s13+$0x200] =	vst v7  }
0xe4: {  	[tilespmem:s6+$0x200] =	vst v3;
	v7 =	vor.u32 $0x100, v0;
	v9 =	vld.idx.msk [tilespmem:v9+s18+$0x0], $0xffff  }
0xe5: {  	v17 =	vor.u32 $0x80, v2;
	v3 =	vshll.u32 v8, $0x3;
	[tilespmem:s7+$0x180] =	vst v10;
	v10 =	vld.idx.msk [tilespmem:v11+s18+$0x0], $0xffff  }
0xe6: {  	v8 =	vand.u32 $0x7F, v8;
	v3 =	vand.u32 $0xFFFFFC00, v3;
	v11 =	vld [tilespmem:s24+$0x0]  }
0xe7: {  	s16 =	sor.u32 s16, s14;
	s14 =	simm.s32 $0x80;
	v3 =	vor.u32 v8, v3;
	v8 =	vld.idx.msk [tilespmem:v13+s18+$0x0], $0xffff;
	[tilespmem:s20+$0x100] =	vst v12  }
0xe8: {  	s24 =	sand.u32 $0x60, s14;
	v12 =	vor.u32 $0x300, v5;
	[tilespmem:s8+$0x80] =	vst v14;
	v14 =	vld.idx.msk [tilespmem:v16+s18+$0x0], $0xffff  }
0xe9: {  	s11 =	sand.u32 $0x780, s14;
	v13 =	vor.u32 $0x300, v6;
	s28 =	sor.u32 $0x10, s24;
	[tilespmem:s16+$0x0] =	vst v15;
	v7 =	vld.idx.msk [tilespmem:v7+s18+$0x0], $0xffff  }
0xea: {  	v16 =	vor.u32 $0x200, v4;
	s1 =	sor.u32 s28, s11;
	v15 =	vld.idx.msk [tilespmem:v17+s18+$0x0], $0xffff  }
0xeb: {  	v18 =	vor.u32 $0x180, v0;
	v20 =	vld [tilespmem:s1+$0x0];
	[tilespmem:s13+$0x280] =	vst v9  }
0xec: {  	v9 =	vor.u32 $0x100, v2;
	v17 =	vld.idx.msk [tilespmem:v3+s18+$0x0], $0xffff;
	[tilespmem:s6+$0x280] =	vst v10  }
0xed: {  	s12 =	sand.u32 $0x3, s12;
	s15 =	simm.s32 $0x300;
	v10 =	vld.idx.msk [tilespmem:v12+s18+$0x0], $0xffff;
	v12 =	vor.u32 $0x80, v3  }
0xee: {  	s4 =	sshll.u32 s12, $0x5;
	v21 =	vor.u32 $0x380, v5;
	s21 =	sand.u32 $0x3C00, s15;
	v19 =	vshll.u32 v11, $0x3;
	v13 =	vld.idx.msk [tilespmem:v13+s18+$0x0], $0xffff;
	[tilespmem:s20+$0x180] =	vst v14  }
0xef: {  	v6 =	vor.u32 $0x380, v6;
	s11 =	sadd.s32 $0x10800, s21;
	s1 =	sadd.s32 $0x0, s4;
	v11 =	vand.u32 $0x7F, v11;
	v5 =	vand.u32 $0xFFFFFC00, v19;
	[tilespmem:s8+$0x100] =	vst v7;
	v7 =	vld.idx.msk [tilespmem:v16+s18+$0x0], $0xffff  }
0xf0: {  	s12 =	sor.u32 s25, s11;
	s26 =	sadd.s32 $0x10, s1;
	v5 =	vor.u32 v11, v5;
	[tilespmem:s16+$0x80] =	vst v15;
	v16 =	vld.idx.msk [tilespmem:v18+s18+$0x0], $0xffff  }
0xf1: {  	s22 =	sor.u32 $0x300, s26;
	v19 =	vor.u32 $0x280, v4;
	v14 =	vld.idx.msk [tilespmem:v9+s18+$0x0], $0xffff;
	[tilespmem:s12+$0x0] =	vst v17  }
0xf2: {  	s23 =	sor.u32 $0x300, s1;
	v17 =	vor.u32 $0x280, v1;
	v15 =	vld.idx.msk [tilespmem:v12+s18+$0x0], $0xffff;
	[tilespmem:s22+$0x10800] =	vst v10  }
0xf3: {  	v18 =	vor.u32 $0x200, v0;
	[tilespmem:s23+$0x10800] =	vst v13;
	v11 =	vld.idx.msk [tilespmem:v21+s18+$0x0], $0xffff  }
0xf4: {  	s30 =	simm.s32 $0x400;
	[tilespmem:s7+$0x200] =	vst v8;
	v13 =	vld.idx.msk [tilespmem:v6+s18+$0x0], $0xffff  }
0xf5: {  	s31 =	simm.s32 $0x2;
	s10 =	simm.s32 $0x8;
	s25 =	simm.s32 $0x1;
	v8 =	vor.u32 $0x80, v5;
	v9 =	vshll.u32 v20, $0x3;
	v10 =	vor.u32 $0x180, v2;
	v12 =	vld.idx.msk [tilespmem:v5+s18+$0x0], $0xffff;
	[tilespmem:s20+$0x200] =	vst v7  }
0xf6: {  	s13 =	simm.s32 $0xA0;
	s6 =	simm.s32 $0xA0;
	s22 =	sand.u32 $0x3, s25;
	v6 =	vand.u32 $0x7F, v20;
	v7 =	vand.u32 $0xFFFFFC00, v9;
	v9 =	vor.u32 $0x100, v3;
	[tilespmem:s8+$0x180] =	vst v16;
	v16 =	vld.idx.msk [tilespmem:v19+s18+$0x0], $0xffff  }
.LBB2_5:
0xf7: {  	s23 =	sand.u32 $0x60, s6;
	s10 =	sadd.s32 $0x2, s10;
	[tilespmem:s16+$0x100] =	vst v14;
	v14 =	vld.idx.msk [tilespmem:v17+s18+$0x0], $0xffff;
	s1 =	sor.u32 $0x380, s1  }
0xf8: {  	s25 =	sand.u32 $0x780, s6;
	v6 =	vor.u32 v6, v7;
	s26 =	sor.u32 $0x380, s26;
	s4 =	sor.u32 $0x10, s23;
	[tilespmem:s12+$0x80] =	vst v15;
	v7 =	vld.idx.msk [tilespmem:v18+s18+$0x0], $0xffff  }
0xf9: {  	s21 =	sand.u32 $0x3, s31;
	v17 =	vor.u32 $0x300, v4;
	p1 =	slt.u32 s10, $0x7E;
	v18 =	vor.u32 $0x300, v1;
	s25 =	sor.u32 s4, s25;
	v15 =	vld [tilespmem:s14+$0x0];
	[tilespmem:s26+$0x10800] =	vst v11  }
0xfa: {  	s11 =	sor.u32 s29, s11;
	s29 =	smov.u32 s24;
	s24 =	smov.u32 s23;
	v10 =	vld.idx.msk [tilespmem:v10+s18+$0x0], $0xffff;
	[tilespmem:s1+$0x10800] =	vst v13  }
0xfb: {  	s14 =	smov.u32 s13;
	[tilespmem:s11+$0x0] =	vst v12;
	v9 =	vld.idx.msk [tilespmem:v9+s18+$0x0], $0xffff  }
0xfc: {  	v11 =	vor.u32 $0x200, v2;
	v8 =	vld.idx.msk [tilespmem:v8+s18+$0x0], $0xffff;
	[tilespmem:s20+$0x280] =	vst v16;
	s20 =	smov.u32 s16;
	s16 =	smov.u32 s11  }
0xfd: {  	v13 =	vor.u32 $0x180, v3;
	v12 =	vld.idx.msk [tilespmem:v6+s18+$0x0], $0xffff;
	[tilespmem:s7+$0x280] =	vst v14;
	s7 =	smov.u32 s8;
	s8 =	smov.u32 s12  }
0xfe: {  	v16 =	vor.u32 $0x100, v5;
	v14 =	vshll.u32 v15, $0x3;
	[tilespmem:s7+$0x200] =	vst v7;
	v7 =	vld.idx.msk [tilespmem:v18+s18+$0x0], $0xffff  }
0xff: {  	v18 =	vor.u32 $0x80, v6;
	v14 =	vand.u32 $0xFFFFFC00, v14;
	v19 =	vld.idx.msk [tilespmem:v17+s18+$0x0], $0xffff  }
0x100: {  	v21 =	vor.u32 $0x380, v1;
	v1 =	vmovc v0;
	v0 =	vmovc v3;
	s1 =	sand.u32 $0x3C00, s30;
	v3 =	vmov v6;
	s12 =	sshll.u32 s22, $0x5;
	s22 =	smov.u32 s21;
	v20 =	vld [tilespmem:s25+$0x0];
	[tilespmem:s20+$0x180] =	vst v10;
	v10 =	vor.u32 $0x380, v4  }
0x101: {  	s11 =	sadd.s32 $0x10800, s1;
	v6 =	vand.u32 $0x7F, v15;
	s1 =	sadd.s32 s12, s9;
	s9 =	smov.u32 s3;
	v4 =	vmov v2;
	v2 =	vmov v5;
	[tilespmem:s8+$0x100] =	vst v9;
	v9 =	vld.idx.msk [tilespmem:v11+s18+$0x0], $0xffff  }
0x102: {  	s12 =	sor.u32 s28, s11;
	s28 =	smov.u32 s4;
	s26 =	sadd.s32 $0x10, s1;
	v5 =	vor.u32 v6, v14;
	[tilespmem:s16+$0x80] =	vst v8;
	v22 =	vld.idx.msk [tilespmem:v13+s18+$0x0], $0xffff  }
0x103: {  	s3 =	smov.u32 s15;
	s4 =	sor.u32 $0x300, s1;
	s21 =	sor.u32 $0x300, s26;
	v8 =	vor.u32 $0x80, v5;
	[tilespmem:s12+$0x0] =	vst v12;
	v14 =	vld.idx.msk [tilespmem:v16+s18+$0x0], $0xffff;
	v16 =	vor.u32 $0x280, v4  }
.Ltmp1:
0x104: {  	s15 =	smov.u32 s30;
	v17 =	vor.u32 $0x280, v1;
	v15 =	vld.idx.msk [tilespmem:v18+s18+$0x0], $0xffff;
	[tilespmem:s21+$0x10800] =	vst v7;
	(pc) =	sbr.rel @p1 .LBB2_5-.Ltmp1, $4  }
0x105: {  	v18 =	vor.u32 $0x200, v0;
	v6 =	vand.u32 $0x7F, v20;
	v7 =	vshll.u32 v20, $0x3;
	[tilespmem:s4+$0x10800] =	vst v19;
	v11 =	vld.idx.msk [tilespmem:v21+s18+$0x0], $0xffff  }
0x106: {  	v7 =	vand.u32 $0xFFFFFC00, v7;
	v13 =	vld.idx.msk [tilespmem:v10+s18+$0x0], $0xffff  }
0x107: {  	s31 =	sadd.s32 $0x1, s31;
	v10 =	vor.u32 $0x180, v2;
	v12 =	vld.idx.msk [tilespmem:v5+s18+$0x0], $0xffff;
	[tilespmem:s20+$0x200] =	vst v9  }
0x108: {  	s6 =	sadd.s32 $0x20, s6;
	s13 =	sadd.s32 $0x20, s13;
	s30 =	sadd.s32 $0x100, s30;
	v9 =	vor.u32 $0x100, v3;
	[tilespmem:s8+$0x180] =	vst v22;
	v16 =	vld.idx.msk [tilespmem:v16+s18+$0x0], $0xffff  }
0x109: {  	v19 =	vld [tilespmem:s14+$0x0];
	_ =	sdelay $0x4  }
0x10a: {  	v20 =	vshll.u32 v19, $0x3  }
0x10b: {  	v7 =	vor.u32 v6, v7;
	v19 =	vand.u32 $0x7F, v19;
	v60 =	vand.u32 $0xFFFFFC00, v20  }
0x10c: {  	v6 =	vor.u32 v19, v60;
	_ =	sdelay $0x1  }
0x10d: {  	[tilespmem:s16+$0x100] =	vst v14  }
0x10e: {  	[tilespmem:s12+$0x80] =	vst v15;
	s4 =	sor.u32 $0x380, s26;
	v21 =	vld.idx.msk [tilespmem:v18+s18+$0x0], $0xffff  }
0x10f: {  	s1 =	sor.u32 $0x380, s1;
	v26 =	vor.u32 $0x300, v4;
	[tilespmem:s4+$0x10800] =	vst v11;
	v61 =	vld.idx.msk [tilespmem:v7+s18+$0x0], $0xffff  }
0x110: {  	s11 =	sor.u32 s29, s11;
	v62 =	vor.u32 $0x80, v7;
	[tilespmem:s1+$0x10800] =	vst v13;
	v19 =	vld.idx.msk [tilespmem:v6+s18+$0x0], $0xffff  }
0x111: {  	s21 =	sand.u32 $0x3C00, s30;
	v10 =	vld.idx.msk [tilespmem:v10+s18+$0x0], $0xffff;
	[tilespmem:s11+$0x0] =	vst v12;
	v63 =	vor.u32 $0x80, v6  }
0x112: {  	s23 =	sadd.s32 $0x10800, s21;
	v8 =	vld.idx.msk [tilespmem:v8+s18+$0x0], $0xffff;
	[tilespmem:s20+$0x280] =	vst v16  }
0x113: {  	v23 =	vor.u32 $0x100, v5;
	v9 =	vld.idx.msk [tilespmem:v9+s18+$0x0], $0xffff;
	s10 =	sor.u32 s28, s23;
	[tilespmem:s8+$0x200] =	vst v21  }
0x114: {  	v39 =	vor.u32 $0x280, v0;
	s6 =	sor.u32 s24, s23;
	v31 =	vld.idx.msk [tilespmem:v26+s18+$0x0], $0xffff;
	[tilespmem:s10+$0x0] =	vst v61  }
0x115: {  	v28 =	vor.u32 $0x180, v3;
	v15 =	vld.idx.msk [tilespmem:v62+s18+$0x0], $0xffff;
	[tilespmem:s6+$0x0] =	vst v19  }
0x116: {  	s25 =	sshll.u32 s22, $0x5;
	v24 =	vor.u32 $0x100, v7;
	[tilespmem:s16+$0x180] =	vst v10;
	v11 =	vld.idx.msk [tilespmem:v63+s18+$0x0], $0xffff  }
0x117: {  	s1 =	sadd.s32 s25, s9;
	v20 =	vld.idx.msk [tilespmem:v17+s18+$0x0], $0xffff;
	v25 =	vor.u32 $0x100, v6;
	[tilespmem:s11+$0x80] =	vst v8  }
0x118: {  	v22 =	vor.u32 $0x300, v1;
	s29 =	sor.u32 $0x300, s1;
	[tilespmem:s12+$0x100] =	vst v9;
	v14 =	vld.idx.msk [tilespmem:v23+s18+$0x0], $0xffff  }
0x119: {  	v29 =	vor.u32 $0x180, v5;
	v45 =	vld.idx.msk [tilespmem:v39+s18+$0x0], $0xffff;
	[tilespmem:s29+$0x10800] =	vst v31  }
0x11a: {  	v27 =	vor.u32 $0x200, v2;
	v8 =	vld.idx.msk [tilespmem:v28+s18+$0x0], $0xffff;
	[tilespmem:s10+$0x80] =	vst v15  }
0x11b: {  	v34 =	vor.u32 $0x380, v4;
	v16 =	vld.idx.msk [tilespmem:v24+s18+$0x0], $0xffff;
	[tilespmem:s6+$0x80] =	vst v11  }
0x11c: {  	v30 =	vor.u32 $0x180, v7;
	[tilespmem:s7+$0x280] =	vst v20;
	v11 =	vld.idx.msk [tilespmem:v25+s18+$0x0], $0xffff  }
0x11d: {  	v32 =	vor.u32 $0x180, v6;
	v12 =	vld.idx.msk [tilespmem:v22+s18+$0x0], $0xffff;
	[tilespmem:s11+$0x100] =	vst v14  }
0x11e: {  	v35 =	vor.u32 $0x200, v3;
	[tilespmem:s8+$0x280] =	vst v45;
	v14 =	vld.idx.msk [tilespmem:v29+s18+$0x0], $0xffff  }
0x11f: {  	v36 =	vor.u32 $0x200, v5;
	v17 =	vld.idx.msk [tilespmem:v27+s18+$0x0], $0xffff;
	[tilespmem:s12+$0x180] =	vst v8  }
0x120: {  	v40 =	vor.u32 $0x280, v2;
	s26 =	sadd.s32 $0x10, s1;
	v4 =	vld.idx.msk [tilespmem:v34+s18+$0x0], $0xffff;
	[tilespmem:s10+$0x100] =	vst v16  }
0x121: {  	v47 =	vor.u32 $0x300, v0;
	s28 =	sor.u32 $0x300, s26;
	v10 =	vld.idx.msk [tilespmem:v30+s18+$0x0], $0xffff;
	[tilespmem:s6+$0x100] =	vst v11  }
0x122: {  	v37 =	vor.u32 $0x200, v7;
	[tilespmem:s28+$0x10800] =	vst v12;
	v9 =	vld.idx.msk [tilespmem:v32+s18+$0x0], $0xffff  }
0x123: {  	v38 =	vor.u32 $0x200, v6;
	v12 =	vld.idx.msk [tilespmem:v35+s18+$0x0], $0xffff;
	[tilespmem:s11+$0x180] =	vst v14  }
0x124: {  	v41 =	vor.u32 $0x280, v3;
	s1 =	sor.u32 $0x380, s1;
	[tilespmem:s16+$0x200] =	vst v17;
	v14 =	vld.idx.msk [tilespmem:v36+s18+$0x0], $0xffff  }
0x125: {  	v42 =	vor.u32 $0x280, v5;
	v8 =	vld.idx.msk [tilespmem:v40+s18+$0x0], $0xffff;
	[tilespmem:s1+$0x10800] =	vst v4  }
0x126: {  	v33 =	vor.u32 $0x380, v1;
	s8 =	sand.u32 $0x3, s31;
	v54 =	vld.idx.msk [tilespmem:v47+s18+$0x0], $0xffff;
	[tilespmem:s10+$0x180] =	vst v10  }
0x127: {  	v48 =	vor.u32 $0x300, v2;
	s1 =	sshll.u32 s8, $0x5;
	v11 =	vld.idx.msk [tilespmem:v37+s18+$0x0], $0xffff;
	[tilespmem:s6+$0x180] =	vst v9  }
0x128: {  	v44 =	vor.u32 $0x280, v7;
	s1 =	sadd.s32 s1, s3;
	[tilespmem:s12+$0x200] =	vst v12;
	v43 =	vld.idx.msk [tilespmem:v38+s18+$0x0], $0xffff  }
0x129: {  	v46 =	vor.u32 $0x280, v6;
	s3 =	sadd.s32 $0x10, s1;
	v49 =	vld.idx.msk [tilespmem:v41+s18+$0x0], $0xffff;
	[tilespmem:s11+$0x200] =	vst v14  }
0x12a: {  	v50 =	vor.u32 $0x300, v3;
	[tilespmem:s16+$0x280] =	vst v8;
	s14 =	sor.u32 $0x300, s3;
	v10 =	vld.idx.msk [tilespmem:v42+s18+$0x0], $0xffff  }
0x12b: {  	v51 =	vor.u32 $0x300, v5;
	v1 =	vld.idx.msk [tilespmem:v33+s18+$0x0], $0xffff;
	[tilespmem:s14+$0x10800] =	vst v54  }
0x12c: {  	v56 =	vor.u32 $0x380, v0;
	v12 =	vld.idx.msk [tilespmem:v48+s18+$0x0], $0xffff;
	[tilespmem:s10+$0x200] =	vst v11  }
0x12d: {  	v57 =	vor.u32 $0x380, v2;
	s9 =	sadd.s32 $0x1, s31;
	v52 =	vld.idx.msk [tilespmem:v44+s18+$0x0], $0xffff;
	[tilespmem:s6+$0x200] =	vst v43  }
0x12e: {  	v53 =	vor.u32 $0x300, v7;
	s13 =	sand.u32 $0x3, s9;
	[tilespmem:s12+$0x280] =	vst v49;
	v4 =	vld.idx.msk [tilespmem:v46+s18+$0x0], $0xffff  }
0x12f: {  	s4 =	sor.u32 $0x380, s26;
	v55 =	vor.u32 $0x300, v6;
	s7 =	sshll.u32 s13, $0x5;
	v58 =	vld.idx.msk [tilespmem:v50+s18+$0x0], $0xffff;
	[tilespmem:s11+$0x280] =	vst v10  }
0x130: {  	v59 =	vor.u32 $0x380, v3;
	s7 =	sadd.s32 s7, s15;
	s15 =	sor.u32 $0x300, s1;
	[tilespmem:s4+$0x10800] =	vst v1;
	v11 =	vld.idx.msk [tilespmem:v51+s18+$0x0], $0xffff  }
0x131: {  	v60 =	vor.u32 $0x380, v5;
	v0 =	vld.idx.msk [tilespmem:v56+s18+$0x0], $0xffff;
	[tilespmem:s15+$0x10800] =	vst v12  }
0x132: {  	s16 =	sadd.s32 $0x10, s7;
	s4 =	sadd.s32 $0x1, s9;
	v2 =	vld.idx.msk [tilespmem:v57+s18+$0x0], $0xffff;
	[tilespmem:s10+$0x280] =	vst v52  }
0x133: {  	s20 =	sor.u32 $0x300, s16;
	s4 =	sand.u32 $0x3, s4;
	v61 =	vld.idx.msk [tilespmem:v53+s18+$0x0], $0xffff;
	[tilespmem:s6+$0x280] =	vst v4  }
0x134: {  	v7 =	vor.u32 $0x380, v7;
	s21 =	sor.u32 $0x300, s7;
	s4 =	sshll.u32 s4, $0x5;
	[tilespmem:s20+$0x10800] =	vst v58;
	v62 =	vld.idx.msk [tilespmem:v55+s18+$0x0], $0xffff  }
0x135: {  	v6 =	vor.u32 $0x380, v6;
	s3 =	sor.u32 $0x380, s3;
	s4 =	sadd.s32 s4, s30;
	v3 =	vld.idx.msk [tilespmem:v59+s18+$0x0], $0xffff;
	[tilespmem:s21+$0x10800] =	vst v11  }
0x136: {  	s1 =	sor.u32 $0x380, s1;
	[tilespmem:s3+$0x10800] =	vst v0;
	s22 =	sadd.s32 $0x10, s4;
	v1 =	vld.idx.msk [tilespmem:v60+s18+$0x0], $0xffff  }
0x137: {  	s23 =	sor.u32 $0x300, s22;
	[tilespmem:s1+$0x10800] =	vst v2  }
0x138: {  	s24 =	sor.u32 $0x300, s4;
	[tilespmem:s23+$0x10800] =	vst v61  }
0x139: {  	s25 =	sor.u32 $0x380, s16;
	v4 =	vld.idx.msk [tilespmem:v7+s18+$0x0], $0xffff;
	[tilespmem:s24+$0x10800] =	vst v62  }
0x13a: {  	s26 =	sor.u32 $0x380, s7;
	[tilespmem:s25+$0x10800] =	vst v3;
	v63 =	vld.idx.msk [tilespmem:v6+s18+$0x0], $0xffff  }
0x13b: {  	p1 =	sne.s32 s2, $0x14;
	[tilespmem:s26+$0x10800] =	vst v1  }
.Ltmp2:
0x13c: {  	s3 =	rddreg [dreg:$0x9];
	(pc) =	sbr.rel @p1 .LBB2_8-.Ltmp2, $4  }
0x13d: {  	s28 =	sor.u32 $0x380, s22;
	s3 =	sadd.s32 s0, s3  }
0x13e: {  	s30 =	rddreg [dreg:$0x2];
	s4 =	sor.u32 $0x380, s4;
	[tilespmem:s28+$0x10800] =	vst v4;
	s29 =	sshrl.u32 s3, $0x3  }
0x13f: {  	s31 =	simm.s32 $0x10800;
	s1 =	sadd.s32 s30, s29;
	[tilespmem:s4+$0x10800] =	vst v63  }
0x140: {  	[hbm4b:s1+s5] =	stream.linear.scatter [tilespmem:s31], [sflag:$0x5], $0x4000, $0x38;
	[tilespmem:$0x18800] =	vst v63  }
.Ltmp3:
0x141: {  	(pc) =	sbr.rel .LBB2_9-.Ltmp3, $4  }
0x142: {  	s1 =	simm.s32 $0x3  }
0x143: {  	_ =	swait.ge [sflag:s1], $0x4000  }
0x144: {  	[sflag:s1] =	ssyncset.done $0x0  }
0x145: {  	[sflag:s1] =	ssyncadd.s32 $0xFFFFC000  }
.LBB2_8:
0x146: {  	s1 =	rddreg [dreg:$0xa]  }
0x147: {  	s1 =	sadd.s32 s0, s1  }
0x148: {  	s3 =	rddreg [dreg:$0x0];
	s1 =	sshrl.u32 s1, $0x3  }
.Ltmp4:
0x149: {  	s31 =	simm.s32 $0x3;
	s1 =	sadd.s32 s3, s1;
	(pc) =	sbr.rel @p0 .LBB2_10-.Ltmp4, $4  }
0x14a: {  	[tilespmem:s18], [sflag:$0x2] =	stream.linear.gather [hbm4b:s1+s5], $0x4000, $0x38;
	[tilespmem:$0x18800] =	vst v63  }
0x14b: {  	_ =	swait.ge [sflag:s31], $0x4000  }
0x14c: {  	[sflag:s31] =	ssyncset.done $0x0  }
0x14d: {  	[sflag:s31] =	ssyncadd.s32 $0xFFFFC000  }
.LBB2_9:
0x14e: {  	s1 =	simm.s32 $0x6  }
0x14f: {  	_ =	swait.ge [sflag:s1], $0x4000  }
0x150: {  	[sflag:s1] =	ssyncset.done $0x0  }
0x151: {  	[sflag:s1] =	ssyncadd.s32 $0xFFFFC000  }
.LBB2_10:
0x152: {  	s12 =	simm.s32 $0x0  }
0x153: {  	s1 =	sand.u32 $0x60, s12  }
0x154: {  	s3 =	sand.u32 $0x780, s12;
	s4 =	sor.u32 $0x10, s1  }
0x155: {  	s3 =	sor.u32 s4, s3  }
0x156: {  	v0 =	vld [tilespmem:s3+$0x0];
	_ =	sdelay $0x3  }
0x157: {  	v2 =	vld [tilespmem:s12+$0x0]  }
0x158: {  	v1 =	vshll.u32 v0, $0x3  }
0x159: {  	v0 =	vand.u32 $0x7F, v0;
	v1 =	vand.u32 $0xFFFFFC00, v1  }
0x15a: {  	s7 =	simm.s32 $0x20;
	v5 =	vor.u32 v0, v1  }
0x15b: {  	s14 =	sand.u32 $0x60, s7  }
0x15c: {  	s6 =	sand.u32 $0x780, s7;
	s8 =	sor.u32 $0x10, s14;
	v0 =	vshll.u32 v2, $0x3  }
0x15d: {  	s6 =	sor.u32 s8, s6;
	v1 =	vand.u32 $0x7F, v2;
	v0 =	vand.u32 $0xFFFFFC00, v0  }
0x15e: {  	v6 =	vor.u32 v1, v0;
	v0 =	vld [tilespmem:s6+$0x0]  }
0x15f: {  	v2 =	vld.idx.msk [tilespmem:v5+s19+$0x0], $0xffff  }
0x160: {  	v1 =	vor.u32 $0x80, v5  }
0x161: {  	s15 =	sand.u32 $0x3C00, s12  }
0x162: {  	s9 =	sadd.s32 $0x14800, s15  }
0x163: {  	s6 =	sor.u32 s4, s9;
	v3 =	vld.idx.msk [tilespmem:v6+s19+$0x0], $0xffff  }
0x164: {  	v4 =	vor.u32 $0x80, v6;
	[tilespmem:s6+$0x0] =	vst v2;
	v2 =	vshll.u32 v0, $0x3  }
0x165: {  	v0 =	vand.u32 $0x7F, v0;
	v7 =	vld.idx.msk [tilespmem:v1+s19+$0x0], $0xffff;
	v1 =	vand.u32 $0xFFFFFC00, v2  }
0x166: {  	v1 =	vor.u32 v0, v1;
	v0 =	vld [tilespmem:s7+$0x0]  }
0x167: {  	s10 =	sor.u32 s1, s9  }
0x168: {  	s11 =	simm.s32 $0x40;
	v2 =	vor.u32 $0x100, v5;
	[tilespmem:s10+$0x0] =	vst v3  }
0x169: {  	s16 =	sand.u32 $0x60, s11;
	v3 =	vld.idx.msk [tilespmem:v4+s19+$0x0], $0xffff  }
0x16a: {  	s22 =	sand.u32 $0x780, s11;
	s21 =	sor.u32 $0x10, s16;
	v8 =	vor.u32 $0x100, v6  }
0x16b: {  	s7 =	sor.u32 s21, s22;
	[tilespmem:s6+$0x80] =	vst v7;
	v7 =	vld.idx.msk [tilespmem:v1+s19+$0x0], $0xffff;
	v4 =	vshll.u32 v0, $0x3  }
0x16c: {  	s9 =	simm.s32 $0x100;
	v9 =	vor.u32 $0x80, v1;
	v10 =	vld [tilespmem:s7+$0x0];
	v0 =	vand.u32 $0x7F, v0;
	v4 =	vand.u32 $0xFFFFFC00, v4  }
0x16d: {  	s23 =	sand.u32 $0x3C00, s9;
	v2 =	vld.idx.msk [tilespmem:v2+s19+$0x0], $0xffff;
	v4 =	vor.u32 v0, v4  }
0x16e: {  	s13 =	sadd.s32 $0x14800, s23;
	[tilespmem:s10+$0x80] =	vst v3;
	v0 =	vor.u32 $0x180, v5  }
0x16f: {  	s7 =	sor.u32 s8, s13;
	v3 =	vld.idx.msk [tilespmem:v8+s19+$0x0], $0xffff  }
0x170: {  	[tilespmem:s7+$0x0] =	vst v7;
	v7 =	vor.u32 $0x180, v6  }
0x171: {  	v8 =	vld.idx.msk [tilespmem:v9+s19+$0x0], $0xffff  }
0x172: {  	v11 =	vor.u32 $0x100, v1;
	[tilespmem:s6+$0x100] =	vst v2;
	v2 =	vshll.u32 v10, $0x3;
	v9 =	vld.idx.msk [tilespmem:v4+s19+$0x0], $0xffff  }
0x173: {  	v13 =	vor.u32 $0x80, v4;
	v2 =	vand.u32 $0xFFFFFC00, v2;
	v12 =	vld.idx.msk [tilespmem:v0+s19+$0x0], $0xffff;
	v0 =	vand.u32 $0x7F, v10  }
0x174: {  	[tilespmem:s10+$0x100] =	vst v3;
	v0 =	vor.u32 v0, v2;
	v2 =	vld [tilespmem:s11+$0x0]  }
0x175: {  	v3 =	vor.u32 $0x200, v5;
	v7 =	vld.idx.msk [tilespmem:v7+s19+$0x0], $0xffff  }
0x176: {  	s20 =	sor.u32 s14, s13;
	[tilespmem:s7+$0x80] =	vst v8;
	v8 =	vor.u32 $0x200, v6  }
0x177: {  	[tilespmem:s20+$0x0] =	vst v9;
	v9 =	vld.idx.msk [tilespmem:v11+s19+$0x0], $0xffff  }
0x178: {  	s24 =	simm.s32 $0x60;
	v11 =	vor.u32 $0x180, v1;
	v10 =	vld.idx.msk [tilespmem:v13+s19+$0x0], $0xffff  }
0x179: {  	s29 =	sand.u32 $0x60, s24;
	v14 =	vor.u32 $0x100, v4;
	[tilespmem:s6+$0x180] =	vst v12;
	v12 =	vld.idx.msk [tilespmem:v0+s19+$0x0], $0xffff;
	v13 =	vshll.u32 v2, $0x3  }
0x17a: {  	s26 =	sand.u32 $0x780, s24;
	s25 =	sor.u32 $0x10, s29;
	s3 =	simm.s32 $0x200;
	v15 =	vor.u32 $0x80, v0;
	v3 =	vld.idx.msk [tilespmem:v3+s19+$0x0], $0xffff;
	v2 =	vand.u32 $0x7F, v2;
	v13 =	vand.u32 $0xFFFFFC00, v13;
	[tilespmem:s10+$0x180] =	vst v7  }
0x17b: {  	s14 =	sand.u32 $0x3C00, s3;
	s8 =	sor.u32 s25, s26;
	v2 =	vor.u32 v2, v13;
	v7 =	vld.idx.msk [tilespmem:v8+s19+$0x0], $0xffff  }
0x17c: {  	s14 =	sadd.s32 $0x14800, s14;
	v8 =	vld [tilespmem:s8+$0x0];
	[tilespmem:s7+$0x100] =	vst v9;
	v9 =	vor.u32 $0x280, v6  }
0x17d: {  	s8 =	sor.u32 s21, s14;
	[tilespmem:s20+$0x80] =	vst v10;
	v10 =	vld.idx.msk [tilespmem:v11+s19+$0x0], $0xffff;
	v11 =	vor.u32 $0x280, v5  }
0x17e: {  	[tilespmem:s8+$0x0] =	vst v12;
	v12 =	vld.idx.msk [tilespmem:v14+s19+$0x0], $0xffff  }
0x17f: {  	v13 =	vor.u32 $0x200, v1;
	v14 =	vld.idx.msk [tilespmem:v15+s19+$0x0], $0xffff  }
0x180: {  	v16 =	vor.u32 $0x180, v4;
	v15 =	vld.idx.msk [tilespmem:v2+s19+$0x0], $0xffff;
	[tilespmem:s10+$0x200] =	vst v7  }
0x181: {  	[tilespmem:s6+$0x200] =	vst v3;
	v7 =	vor.u32 $0x100, v0;
	v9 =	vld.idx.msk [tilespmem:v9+s19+$0x0], $0xffff  }
0x182: {  	v17 =	vor.u32 $0x80, v2;
	v3 =	vshll.u32 v8, $0x3;
	[tilespmem:s7+$0x180] =	vst v10;
	v10 =	vld.idx.msk [tilespmem:v11+s19+$0x0], $0xffff  }
0x183: {  	v8 =	vand.u32 $0x7F, v8;
	v3 =	vand.u32 $0xFFFFFC00, v3;
	v11 =	vld [tilespmem:s24+$0x0]  }
0x184: {  	s16 =	sor.u32 s16, s14;
	s14 =	simm.s32 $0x80;
	v3 =	vor.u32 v8, v3;
	v8 =	vld.idx.msk [tilespmem:v13+s19+$0x0], $0xffff;
	[tilespmem:s20+$0x100] =	vst v12  }
0x185: {  	s24 =	sand.u32 $0x60, s14;
	v12 =	vor.u32 $0x300, v5;
	[tilespmem:s8+$0x80] =	vst v14;
	v14 =	vld.idx.msk [tilespmem:v16+s19+$0x0], $0xffff  }
0x186: {  	s11 =	sand.u32 $0x780, s14;
	v13 =	vor.u32 $0x300, v6;
	s28 =	sor.u32 $0x10, s24;
	[tilespmem:s16+$0x0] =	vst v15;
	v7 =	vld.idx.msk [tilespmem:v7+s19+$0x0], $0xffff  }
0x187: {  	v16 =	vor.u32 $0x200, v4;
	s1 =	sor.u32 s28, s11;
	v15 =	vld.idx.msk [tilespmem:v17+s19+$0x0], $0xffff  }
0x188: {  	v18 =	vor.u32 $0x180, v0;
	v20 =	vld [tilespmem:s1+$0x0];
	[tilespmem:s10+$0x280] =	vst v9  }
0x189: {  	v9 =	vor.u32 $0x100, v2;
	v17 =	vld.idx.msk [tilespmem:v3+s19+$0x0], $0xffff;
	[tilespmem:s6+$0x280] =	vst v10  }
0x18a: {  	s12 =	sand.u32 $0x3, s12;
	s15 =	simm.s32 $0x300;
	v10 =	vld.idx.msk [tilespmem:v12+s19+$0x0], $0xffff;
	v12 =	vor.u32 $0x80, v3  }
0x18b: {  	v21 =	vor.u32 $0x380, v5;
	s4 =	sshll.u32 s12, $0x5;
	s21 =	sand.u32 $0x3C00, s15;
	v19 =	vshll.u32 v11, $0x3;
	v13 =	vld.idx.msk [tilespmem:v13+s19+$0x0], $0xffff;
	[tilespmem:s20+$0x180] =	vst v14  }
0x18c: {  	v6 =	vor.u32 $0x380, v6;
	s11 =	sadd.s32 $0x14800, s21;
	s1 =	sadd.s32 $0x0, s4;
	v11 =	vand.u32 $0x7F, v11;
	v5 =	vand.u32 $0xFFFFFC00, v19;
	[tilespmem:s8+$0x100] =	vst v7;
	v7 =	vld.idx.msk [tilespmem:v16+s19+$0x0], $0xffff  }
0x18d: {  	s12 =	sor.u32 s25, s11;
	s26 =	sadd.s32 $0x10, s1;
	v5 =	vor.u32 v11, v5;
	[tilespmem:s16+$0x80] =	vst v15;
	v16 =	vld.idx.msk [tilespmem:v18+s19+$0x0], $0xffff  }
0x18e: {  	s22 =	sor.u32 $0x300, s26;
	v19 =	vor.u32 $0x280, v4;
	v14 =	vld.idx.msk [tilespmem:v9+s19+$0x0], $0xffff;
	[tilespmem:s12+$0x0] =	vst v17  }
0x18f: {  	s23 =	sor.u32 $0x300, s1;
	v17 =	vor.u32 $0x280, v1;
	v15 =	vld.idx.msk [tilespmem:v12+s19+$0x0], $0xffff;
	[tilespmem:s22+$0x14800] =	vst v10  }
0x190: {  	v18 =	vor.u32 $0x200, v0;
	[tilespmem:s23+$0x14800] =	vst v13;
	v11 =	vld.idx.msk [tilespmem:v21+s19+$0x0], $0xffff  }
0x191: {  	s31 =	simm.s32 $0x2;
	[tilespmem:s7+$0x200] =	vst v8;
	v13 =	vld.idx.msk [tilespmem:v6+s19+$0x0], $0xffff  }
0x192: {  	s30 =	simm.s32 $0x400;
	s13 =	simm.s32 $0xA0;
	s25 =	simm.s32 $0x1;
	v8 =	vor.u32 $0x80, v5;
	v9 =	vshll.u32 v20, $0x3;
	v10 =	vor.u32 $0x180, v2;
	v12 =	vld.idx.msk [tilespmem:v5+s19+$0x0], $0xffff;
	[tilespmem:s20+$0x200] =	vst v7  }
0x193: {  	s10 =	simm.s32 $0x8;
	s6 =	simm.s32 $0xA0;
	s22 =	sand.u32 $0x3, s25;
	v6 =	vand.u32 $0x7F, v20;
	v7 =	vand.u32 $0xFFFFFC00, v9;
	v9 =	vor.u32 $0x100, v3;
	[tilespmem:s8+$0x180] =	vst v16;
	v16 =	vld.idx.msk [tilespmem:v19+s19+$0x0], $0xffff  }
.LBB2_11:
0x194: {  	s21 =	sand.u32 $0x60, s6;
	s10 =	sadd.s32 $0x2, s10;
	[tilespmem:s16+$0x100] =	vst v14;
	v14 =	vld.idx.msk [tilespmem:v17+s19+$0x0], $0xffff;
	s1 =	sor.u32 $0x380, s1  }
0x195: {  	s23 =	sand.u32 $0x780, s6;
	v6 =	vor.u32 v6, v7;
	s25 =	sor.u32 $0x380, s26;
	s4 =	sor.u32 $0x10, s21;
	[tilespmem:s12+$0x80] =	vst v15;
	v7 =	vld.idx.msk [tilespmem:v18+s19+$0x0], $0xffff  }
0x196: {  	s26 =	sand.u32 $0x3, s31;
	v17 =	vor.u32 $0x300, v4;
	p0 =	slt.u32 s10, $0x7E;
	v18 =	vor.u32 $0x300, v1;
	s23 =	sor.u32 s4, s23;
	v15 =	vld [tilespmem:s14+$0x0];
	[tilespmem:s25+$0x14800] =	vst v11  }
0x197: {  	s11 =	sor.u32 s29, s11;
	s29 =	smov.u32 s24;
	s24 =	smov.u32 s21;
	v10 =	vld.idx.msk [tilespmem:v10+s19+$0x0], $0xffff;
	[tilespmem:s1+$0x14800] =	vst v13  }
0x198: {  	s14 =	smov.u32 s13;
	[tilespmem:s11+$0x0] =	vst v12;
	v9 =	vld.idx.msk [tilespmem:v9+s19+$0x0], $0xffff  }
0x199: {  	v11 =	vor.u32 $0x200, v2;
	v8 =	vld.idx.msk [tilespmem:v8+s19+$0x0], $0xffff;
	[tilespmem:s20+$0x280] =	vst v16;
	s20 =	smov.u32 s16;
	s16 =	smov.u32 s11  }
0x19a: {  	v13 =	vor.u32 $0x180, v3;
	v12 =	vld.idx.msk [tilespmem:v6+s19+$0x0], $0xffff;
	[tilespmem:s7+$0x280] =	vst v14;
	s7 =	smov.u32 s8;
	s8 =	smov.u32 s12  }
0x19b: {  	v16 =	vor.u32 $0x100, v5;
	v14 =	vshll.u32 v15, $0x3;
	[tilespmem:s7+$0x200] =	vst v7;
	v7 =	vld.idx.msk [tilespmem:v18+s19+$0x0], $0xffff  }
0x19c: {  	v18 =	vor.u32 $0x80, v6;
	v14 =	vand.u32 $0xFFFFFC00, v14;
	v19 =	vld.idx.msk [tilespmem:v17+s19+$0x0], $0xffff  }
0x19d: {  	v21 =	vor.u32 $0x380, v1;
	v1 =	vmovc v0;
	v0 =	vmovc v3;
	s1 =	sand.u32 $0x3C00, s30;
	v3 =	vmov v6;
	s12 =	sshll.u32 s22, $0x5;
	s22 =	smov.u32 s26;
	v20 =	vld [tilespmem:s23+$0x0];
	[tilespmem:s20+$0x180] =	vst v10;
	v10 =	vor.u32 $0x380, v4  }
0x19e: {  	s11 =	sadd.s32 $0x14800, s1;
	v6 =	vand.u32 $0x7F, v15;
	s1 =	sadd.s32 s12, s9;
	s9 =	smov.u32 s3;
	v4 =	vmov v2;
	v2 =	vmov v5;
	[tilespmem:s8+$0x100] =	vst v9;
	v9 =	vld.idx.msk [tilespmem:v11+s19+$0x0], $0xffff  }
0x19f: {  	s12 =	sor.u32 s28, s11;
	s28 =	smov.u32 s4;
	s26 =	sadd.s32 $0x10, s1;
	v5 =	vor.u32 v6, v14;
	[tilespmem:s16+$0x80] =	vst v8;
	v22 =	vld.idx.msk [tilespmem:v13+s19+$0x0], $0xffff  }
0x1a0: {  	s3 =	smov.u32 s15;
	s4 =	sor.u32 $0x300, s1;
	s21 =	sor.u32 $0x300, s26;
	v8 =	vor.u32 $0x80, v5;
	[tilespmem:s12+$0x0] =	vst v12;
	v14 =	vld.idx.msk [tilespmem:v16+s19+$0x0], $0xffff;
	v16 =	vor.u32 $0x280, v4  }
.Ltmp5:
0x1a1: {  	s15 =	smov.u32 s30;
	v17 =	vor.u32 $0x280, v1;
	v15 =	vld.idx.msk [tilespmem:v18+s19+$0x0], $0xffff;
	[tilespmem:s21+$0x14800] =	vst v7;
	(pc) =	sbr.rel @p0 .LBB2_11-.Ltmp5, $4  }
0x1a2: {  	v18 =	vor.u32 $0x200, v0;
	v6 =	vand.u32 $0x7F, v20;
	v7 =	vshll.u32 v20, $0x3;
	[tilespmem:s4+$0x14800] =	vst v19;
	v11 =	vld.idx.msk [tilespmem:v21+s19+$0x0], $0xffff  }
0x1a3: {  	v7 =	vand.u32 $0xFFFFFC00, v7;
	v13 =	vld.idx.msk [tilespmem:v10+s19+$0x0], $0xffff  }
0x1a4: {  	s31 =	sadd.s32 $0x1, s31;
	v10 =	vor.u32 $0x180, v2;
	v12 =	vld.idx.msk [tilespmem:v5+s19+$0x0], $0xffff;
	[tilespmem:s20+$0x200] =	vst v9  }
0x1a5: {  	s6 =	sadd.s32 $0x20, s6;
	s13 =	sadd.s32 $0x20, s13;
	s30 =	sadd.s32 $0x100, s30;
	v9 =	vor.u32 $0x100, v3;
	[tilespmem:s8+$0x180] =	vst v22;
	v16 =	vld.idx.msk [tilespmem:v16+s19+$0x0], $0xffff  }
0x1a6: {  	v19 =	vld [tilespmem:s14+$0x0];
	_ =	sdelay $0x4  }
0x1a7: {  	v20 =	vshll.u32 v19, $0x3  }
0x1a8: {  	v7 =	vor.u32 v6, v7;
	v19 =	vand.u32 $0x7F, v19;
	v60 =	vand.u32 $0xFFFFFC00, v20  }
0x1a9: {  	v6 =	vor.u32 v19, v60;
	_ =	sdelay $0x1  }
0x1aa: {  	[tilespmem:s16+$0x100] =	vst v14  }
0x1ab: {  	[tilespmem:s12+$0x80] =	vst v15;
	s4 =	sor.u32 $0x380, s26;
	v21 =	vld.idx.msk [tilespmem:v18+s19+$0x0], $0xffff  }
0x1ac: {  	s1 =	sor.u32 $0x380, s1;
	v26 =	vor.u32 $0x300, v4;
	[tilespmem:s4+$0x14800] =	vst v11;
	v61 =	vld.idx.msk [tilespmem:v7+s19+$0x0], $0xffff  }
0x1ad: {  	s11 =	sor.u32 s29, s11;
	v62 =	vor.u32 $0x80, v7;
	[tilespmem:s1+$0x14800] =	vst v13;
	v19 =	vld.idx.msk [tilespmem:v6+s19+$0x0], $0xffff  }
0x1ae: {  	s21 =	sand.u32 $0x3C00, s30;
	v10 =	vld.idx.msk [tilespmem:v10+s19+$0x0], $0xffff;
	[tilespmem:s11+$0x0] =	vst v12;
	v63 =	vor.u32 $0x80, v6  }
0x1af: {  	s23 =	sadd.s32 $0x14800, s21;
	v8 =	vld.idx.msk [tilespmem:v8+s19+$0x0], $0xffff;
	[tilespmem:s20+$0x280] =	vst v16  }
0x1b0: {  	v23 =	vor.u32 $0x100, v5;
	v9 =	vld.idx.msk [tilespmem:v9+s19+$0x0], $0xffff;
	s10 =	sor.u32 s28, s23;
	[tilespmem:s8+$0x200] =	vst v21  }
0x1b1: {  	v39 =	vor.u32 $0x280, v0;
	s6 =	sor.u32 s24, s23;
	v31 =	vld.idx.msk [tilespmem:v26+s19+$0x0], $0xffff;
	[tilespmem:s10+$0x0] =	vst v61  }
0x1b2: {  	v28 =	vor.u32 $0x180, v3;
	v15 =	vld.idx.msk [tilespmem:v62+s19+$0x0], $0xffff;
	[tilespmem:s6+$0x0] =	vst v19  }
0x1b3: {  	s25 =	sshll.u32 s22, $0x5;
	v24 =	vor.u32 $0x100, v7;
	[tilespmem:s16+$0x180] =	vst v10;
	v11 =	vld.idx.msk [tilespmem:v63+s19+$0x0], $0xffff  }
0x1b4: {  	s1 =	sadd.s32 s25, s9;
	v20 =	vld.idx.msk [tilespmem:v17+s19+$0x0], $0xffff;
	v25 =	vor.u32 $0x100, v6;
	[tilespmem:s11+$0x80] =	vst v8  }
0x1b5: {  	v22 =	vor.u32 $0x300, v1;
	s29 =	sor.u32 $0x300, s1;
	[tilespmem:s12+$0x100] =	vst v9;
	v14 =	vld.idx.msk [tilespmem:v23+s19+$0x0], $0xffff  }
0x1b6: {  	v29 =	vor.u32 $0x180, v5;
	v45 =	vld.idx.msk [tilespmem:v39+s19+$0x0], $0xffff;
	[tilespmem:s29+$0x14800] =	vst v31  }
0x1b7: {  	v27 =	vor.u32 $0x200, v2;
	v8 =	vld.idx.msk [tilespmem:v28+s19+$0x0], $0xffff;
	[tilespmem:s10+$0x80] =	vst v15  }
0x1b8: {  	v34 =	vor.u32 $0x380, v4;
	v16 =	vld.idx.msk [tilespmem:v24+s19+$0x0], $0xffff;
	[tilespmem:s6+$0x80] =	vst v11  }
0x1b9: {  	v30 =	vor.u32 $0x180, v7;
	[tilespmem:s7+$0x280] =	vst v20;
	v11 =	vld.idx.msk [tilespmem:v25+s19+$0x0], $0xffff  }
0x1ba: {  	v32 =	vor.u32 $0x180, v6;
	v12 =	vld.idx.msk [tilespmem:v22+s19+$0x0], $0xffff;
	[tilespmem:s11+$0x100] =	vst v14  }
0x1bb: {  	v35 =	vor.u32 $0x200, v3;
	[tilespmem:s8+$0x280] =	vst v45;
	v14 =	vld.idx.msk [tilespmem:v29+s19+$0x0], $0xffff  }
0x1bc: {  	v36 =	vor.u32 $0x200, v5;
	v17 =	vld.idx.msk [tilespmem:v27+s19+$0x0], $0xffff;
	[tilespmem:s12+$0x180] =	vst v8  }
0x1bd: {  	v40 =	vor.u32 $0x280, v2;
	s26 =	sadd.s32 $0x10, s1;
	v4 =	vld.idx.msk [tilespmem:v34+s19+$0x0], $0xffff;
	[tilespmem:s10+$0x100] =	vst v16  }
0x1be: {  	v47 =	vor.u32 $0x300, v0;
	s28 =	sor.u32 $0x300, s26;
	v10 =	vld.idx.msk [tilespmem:v30+s19+$0x0], $0xffff;
	[tilespmem:s6+$0x100] =	vst v11  }
0x1bf: {  	v37 =	vor.u32 $0x200, v7;
	[tilespmem:s28+$0x14800] =	vst v12;
	v9 =	vld.idx.msk [tilespmem:v32+s19+$0x0], $0xffff  }
0x1c0: {  	v38 =	vor.u32 $0x200, v6;
	v12 =	vld.idx.msk [tilespmem:v35+s19+$0x0], $0xffff;
	[tilespmem:s11+$0x180] =	vst v14  }
0x1c1: {  	v41 =	vor.u32 $0x280, v3;
	s1 =	sor.u32 $0x380, s1;
	[tilespmem:s16+$0x200] =	vst v17;
	v14 =	vld.idx.msk [tilespmem:v36+s19+$0x0], $0xffff  }
0x1c2: {  	v42 =	vor.u32 $0x280, v5;
	v8 =	vld.idx.msk [tilespmem:v40+s19+$0x0], $0xffff;
	[tilespmem:s1+$0x14800] =	vst v4  }
0x1c3: {  	v33 =	vor.u32 $0x380, v1;
	s8 =	sand.u32 $0x3, s31;
	v54 =	vld.idx.msk [tilespmem:v47+s19+$0x0], $0xffff;
	[tilespmem:s10+$0x180] =	vst v10  }
0x1c4: {  	v48 =	vor.u32 $0x300, v2;
	s1 =	sshll.u32 s8, $0x5;
	v11 =	vld.idx.msk [tilespmem:v37+s19+$0x0], $0xffff;
	[tilespmem:s6+$0x180] =	vst v9  }
0x1c5: {  	v44 =	vor.u32 $0x280, v7;
	s1 =	sadd.s32 s1, s3;
	[tilespmem:s12+$0x200] =	vst v12;
	v43 =	vld.idx.msk [tilespmem:v38+s19+$0x0], $0xffff  }
0x1c6: {  	v46 =	vor.u32 $0x280, v6;
	s3 =	sadd.s32 $0x10, s1;
	v49 =	vld.idx.msk [tilespmem:v41+s19+$0x0], $0xffff;
	[tilespmem:s11+$0x200] =	vst v14  }
0x1c7: {  	v50 =	vor.u32 $0x300, v3;
	[tilespmem:s16+$0x280] =	vst v8;
	s14 =	sor.u32 $0x300, s3;
	v10 =	vld.idx.msk [tilespmem:v42+s19+$0x0], $0xffff  }
0x1c8: {  	v51 =	vor.u32 $0x300, v5;
	v1 =	vld.idx.msk [tilespmem:v33+s19+$0x0], $0xffff;
	[tilespmem:s14+$0x14800] =	vst v54  }
0x1c9: {  	v56 =	vor.u32 $0x380, v0;
	v12 =	vld.idx.msk [tilespmem:v48+s19+$0x0], $0xffff;
	[tilespmem:s10+$0x200] =	vst v11  }
0x1ca: {  	v57 =	vor.u32 $0x380, v2;
	s9 =	sadd.s32 $0x1, s31;
	v52 =	vld.idx.msk [tilespmem:v44+s19+$0x0], $0xffff;
	[tilespmem:s6+$0x200] =	vst v43  }
0x1cb: {  	v53 =	vor.u32 $0x300, v7;
	s13 =	sand.u32 $0x3, s9;
	[tilespmem:s12+$0x280] =	vst v49;
	v4 =	vld.idx.msk [tilespmem:v46+s19+$0x0], $0xffff  }
0x1cc: {  	s4 =	sor.u32 $0x380, s26;
	v55 =	vor.u32 $0x300, v6;
	s7 =	sshll.u32 s13, $0x5;
	v58 =	vld.idx.msk [tilespmem:v50+s19+$0x0], $0xffff;
	[tilespmem:s11+$0x280] =	vst v10  }
0x1cd: {  	v59 =	vor.u32 $0x380, v3;
	s7 =	sadd.s32 s7, s15;
	s15 =	sor.u32 $0x300, s1;
	[tilespmem:s4+$0x14800] =	vst v1;
	v11 =	vld.idx.msk [tilespmem:v51+s19+$0x0], $0xffff  }
0x1ce: {  	v60 =	vor.u32 $0x380, v5;
	v0 =	vld.idx.msk [tilespmem:v56+s19+$0x0], $0xffff;
	[tilespmem:s15+$0x14800] =	vst v12  }
0x1cf: {  	s16 =	sadd.s32 $0x10, s7;
	s4 =	sadd.s32 $0x1, s9;
	v2 =	vld.idx.msk [tilespmem:v57+s19+$0x0], $0xffff;
	[tilespmem:s10+$0x280] =	vst v52  }
0x1d0: {  	s20 =	sor.u32 $0x300, s16;
	s4 =	sand.u32 $0x3, s4;
	v61 =	vld.idx.msk [tilespmem:v53+s19+$0x0], $0xffff;
	[tilespmem:s6+$0x280] =	vst v4  }
0x1d1: {  	v7 =	vor.u32 $0x380, v7;
	s21 =	sor.u32 $0x300, s7;
	s4 =	sshll.u32 s4, $0x5;
	[tilespmem:s20+$0x14800] =	vst v58;
	v62 =	vld.idx.msk [tilespmem:v55+s19+$0x0], $0xffff  }
0x1d2: {  	v6 =	vor.u32 $0x380, v6;
	s3 =	sor.u32 $0x380, s3;
	s4 =	sadd.s32 s4, s30;
	v3 =	vld.idx.msk [tilespmem:v59+s19+$0x0], $0xffff;
	[tilespmem:s21+$0x14800] =	vst v11  }
0x1d3: {  	s1 =	sor.u32 $0x380, s1;
	[tilespmem:s3+$0x14800] =	vst v0;
	s22 =	sadd.s32 $0x10, s4;
	v1 =	vld.idx.msk [tilespmem:v60+s19+$0x0], $0xffff  }
0x1d4: {  	s23 =	sor.u32 $0x300, s22;
	[tilespmem:s1+$0x14800] =	vst v2  }
0x1d5: {  	s24 =	sor.u32 $0x300, s4;
	[tilespmem:s23+$0x14800] =	vst v61  }
0x1d6: {  	s25 =	sor.u32 $0x380, s16;
	v4 =	vld.idx.msk [tilespmem:v7+s19+$0x0], $0xffff;
	[tilespmem:s24+$0x14800] =	vst v62  }
0x1d7: {  	s26 =	sor.u32 $0x380, s7;
	[tilespmem:s25+$0x14800] =	vst v3;
	v63 =	vld.idx.msk [tilespmem:v6+s19+$0x0], $0xffff  }
0x1d8: {  	p0 =	seq.s32 s2, $0x14;
	[tilespmem:s26+$0x14800] =	vst v1  }
.Ltmp6:
0x1d9: {  	s3 =	rddreg [dreg:$0xb];
	(pc) =	sbr.rel @p0 .LBB2_14-.Ltmp6, $4  }
0x1da: {  	s28 =	sor.u32 $0x380, s22;
	s3 =	sadd.s32 s0, s3  }
0x1db: {  	s30 =	rddreg [dreg:$0x2];
	s4 =	sor.u32 $0x380, s4;
	[tilespmem:s28+$0x14800] =	vst v4;
	s29 =	sshrl.u32 s3, $0x3  }
0x1dc: {  	s31 =	simm.s32 $0x14800;
	s1 =	sadd.s32 s30, s29;
	[tilespmem:s4+$0x14800] =	vst v63  }
0x1dd: {  	[hbm4b:s1+s5] =	stream.linear.scatter [tilespmem:s31], [sflag:$0x6], $0x4000, $0x38;
	[tilespmem:$0x18800] =	vst v63  }
.Ltmp7:
0x1de: {  	s1 =	rddreg [dreg:$0xc];
	(pc) =	sbr.rel .LBB2_2-.Ltmp7, $4  }
0x1df: {  	s0 =	sadd.s32 s0, s1  }
0x1e0: {  	s31 =	rddreg [dreg:$0x0];
	s0 =	sshrl.u32 s0, $0x3  }
0x1e1: {  	s2 =	sadd.s32 $0x1, s2;
	s0 =	sadd.s32 s31, s0  }
0x1e2: {  	[tilespmem:s19], [sflag:$0x3] =	stream.linear.gather [hbm4b:s0+s5], $0x4000, $0x38;
	[tilespmem:$0x18800] =	vst v63  }
.LBB2_14:
0x1e3: {  	s0 =	simm.s32 $0x1  }
0x1e4: {  	_ =	swait.ge [sflag:s0], $0x4000  }
0x1e5: {  	[sflag:s0] =	ssyncset.done $0x0  }
0x1e6: {  	s9 =	simm.s32 $0x0;
	s26 =	simm.s32 $0x4;
	[sflag:s0] =	ssyncadd.s32 $0xFFFFC000  }
0x1e7: {  	s1 =	sand.u32 $0x60, s9;
	_ =	swait.ge [sflag:s26], $0x4000  }
0x1e8: {  	s14 =	sand.u32 $0x780, s9;
	s2 =	sor.u32 $0x10, s1;
	[sflag:s26] =	ssyncset.done $0x0  }
0x1e9: {  	s0 =	sor.u32 s2, s14;
	[sflag:s26] =	ssyncadd.s32 $0xFFFFC000  }
0x1ea: {  	v0 =	vld [tilespmem:s0+$0x0];
	_ =	sdelay $0x3  }
0x1eb: {  	v2 =	vld [tilespmem:s9+$0x0]  }
0x1ec: {  	v1 =	vshll.u32 v0, $0x3  }
0x1ed: {  	v0 =	vand.u32 $0x7F, v0;
	v1 =	vand.u32 $0xFFFFFC00, v1  }
0x1ee: {  	s3 =	simm.s32 $0x20;
	v5 =	vor.u32 v0, v1  }
0x1ef: {  	s15 =	sand.u32 $0x60, s3  }
0x1f0: {  	s6 =	sand.u32 $0x780, s3;
	s4 =	sor.u32 $0x10, s15;
	v0 =	vshll.u32 v2, $0x3  }
0x1f1: {  	s6 =	sor.u32 s4, s6;
	v1 =	vand.u32 $0x7F, v2;
	v0 =	vand.u32 $0xFFFFFC00, v0  }
0x1f2: {  	v6 =	vor.u32 v1, v0;
	v0 =	vld [tilespmem:s6+$0x0]  }
0x1f3: {  	v2 =	vld.idx.msk [tilespmem:v5+s17+$0x0], $0xffff  }
0x1f4: {  	v1 =	vor.u32 $0x80, v5  }
0x1f5: {  	s16 =	sand.u32 $0x3C00, s9  }
0x1f6: {  	s7 =	sadd.s32 $0xC800, s16  }
0x1f7: {  	s6 =	sor.u32 s2, s7;
	v4 =	vld.idx.msk [tilespmem:v6+s17+$0x0], $0xffff  }
0x1f8: {  	v7 =	vor.u32 $0x80, v6;
	[tilespmem:s6+$0x0] =	vst v2;
	v2 =	vshll.u32 v0, $0x3  }
0x1f9: {  	v0 =	vand.u32 $0x7F, v0;
	v1 =	vld.idx.msk [tilespmem:v1+s17+$0x0], $0xffff;
	v2 =	vand.u32 $0xFFFFFC00, v2  }
0x1fa: {  	v3 =	vor.u32 v0, v2;
	v0 =	vld [tilespmem:s3+$0x0]  }
0x1fb: {  	s10 =	sor.u32 s1, s7  }
0x1fc: {  	s20 =	simm.s32 $0x40;
	v2 =	vor.u32 $0x100, v5;
	[tilespmem:s10+$0x0] =	vst v4  }
0x1fd: {  	s21 =	sand.u32 $0x60, s20;
	v7 =	vld.idx.msk [tilespmem:v7+s17+$0x0], $0xffff  }
0x1fe: {  	s23 =	sand.u32 $0x780, s20;
	s22 =	sor.u32 $0x10, s21;
	v8 =	vor.u32 $0x100, v6  }
0x1ff: {  	s7 =	sor.u32 s22, s23;
	[tilespmem:s6+$0x80] =	vst v1;
	v1 =	vld.idx.msk [tilespmem:v3+s17+$0x0], $0xffff;
	v4 =	vshll.u32 v0, $0x3  }
0x200: {  	s8 =	simm.s32 $0x100;
	v10 =	vld [tilespmem:s7+$0x0];
	v9 =	vor.u32 $0x80, v3;
	v0 =	vand.u32 $0x7F, v0;
	v4 =	vand.u32 $0xFFFFFC00, v4  }
0x201: {  	s24 =	sand.u32 $0x3C00, s8;
	v2 =	vld.idx.msk [tilespmem:v2+s17+$0x0], $0xffff;
	v4 =	vor.u32 v0, v4  }
0x202: {  	s11 =	sadd.s32 $0xC800, s24;
	[tilespmem:s10+$0x80] =	vst v7;
	v0 =	vor.u32 $0x180, v5  }
0x203: {  	s7 =	sor.u32 s4, s11;
	v7 =	vld.idx.msk [tilespmem:v8+s17+$0x0], $0xffff  }
0x204: {  	[tilespmem:s7+$0x0] =	vst v1;
	v1 =	vor.u32 $0x180, v6  }
0x205: {  	v8 =	vld.idx.msk [tilespmem:v9+s17+$0x0], $0xffff  }
0x206: {  	v11 =	vor.u32 $0x100, v3;
	[tilespmem:s6+$0x100] =	vst v2;
	v2 =	vshll.u32 v10, $0x3;
	v9 =	vld.idx.msk [tilespmem:v4+s17+$0x0], $0xffff  }
0x207: {  	v13 =	vor.u32 $0x80, v4;
	v2 =	vand.u32 $0xFFFFFC00, v2;
	v12 =	vld.idx.msk [tilespmem:v0+s17+$0x0], $0xffff;
	v0 =	vand.u32 $0x7F, v10  }
0x208: {  	[tilespmem:s10+$0x100] =	vst v7;
	v0 =	vor.u32 v0, v2;
	v2 =	vld [tilespmem:s20+$0x0]  }
0x209: {  	v7 =	vor.u32 $0x200, v5;
	v1 =	vld.idx.msk [tilespmem:v1+s17+$0x0], $0xffff  }
0x20a: {  	s16 =	sor.u32 s15, s11;
	[tilespmem:s7+$0x80] =	vst v8;
	v8 =	vor.u32 $0x200, v6  }
0x20b: {  	[tilespmem:s16+$0x0] =	vst v9;
	v9 =	vld.idx.msk [tilespmem:v11+s17+$0x0], $0xffff  }
0x20c: {  	s25 =	simm.s32 $0x60;
	v11 =	vor.u32 $0x180, v3;
	v10 =	vld.idx.msk [tilespmem:v13+s17+$0x0], $0xffff  }
0x20d: {  	v14 =	vor.u32 $0x100, v4;
	s20 =	sand.u32 $0x60, s25;
	[tilespmem:s6+$0x180] =	vst v12;
	v12 =	vld.idx.msk [tilespmem:v0+s17+$0x0], $0xffff;
	v13 =	vshll.u32 v2, $0x3  }
0x20e: {  	s13 =	sand.u32 $0x780, s25;
	s0 =	simm.s32 $0x200;
	s31 =	sor.u32 $0x10, s20;
	v15 =	vor.u32 $0x80, v0;
	v7 =	vld.idx.msk [tilespmem:v7+s17+$0x0], $0xffff;
	v13 =	vand.u32 $0xFFFFFC00, v13;
	[tilespmem:s10+$0x180] =	vst v1;
	v1 =	vand.u32 $0x7F, v2  }
0x20f: {  	s12 =	sand.u32 $0x3C00, s0;
	s4 =	sor.u32 s31, s13;
	v2 =	vld.idx.msk [tilespmem:v8+s17+$0x0], $0xffff;
	v1 =	vor.u32 v1, v13  }
0x210: {  	s14 =	sadd.s32 $0xC800, s12;
	v8 =	vld [tilespmem:s4+$0x0];
	[tilespmem:s7+$0x100] =	vst v9;
	v9 =	vor.u32 $0x280, v6  }
0x211: {  	s2 =	sor.u32 s22, s14;
	[tilespmem:s16+$0x80] =	vst v10;
	v10 =	vld.idx.msk [tilespmem:v11+s17+$0x0], $0xffff;
	v11 =	vor.u32 $0x280, v5  }
0x212: {  	[tilespmem:s2+$0x0] =	vst v12;
	v12 =	vld.idx.msk [tilespmem:v14+s17+$0x0], $0xffff  }
0x213: {  	v13 =	vor.u32 $0x200, v3;
	v14 =	vld.idx.msk [tilespmem:v15+s17+$0x0], $0xffff  }
0x214: {  	v16 =	vor.u32 $0x180, v4;
	v15 =	vld.idx.msk [tilespmem:v1+s17+$0x0], $0xffff;
	[tilespmem:s10+$0x200] =	vst v2  }
0x215: {  	[tilespmem:s6+$0x200] =	vst v7;
	v7 =	vor.u32 $0x100, v0;
	v2 =	vshll.u32 v8, $0x3;
	v9 =	vld.idx.msk [tilespmem:v9+s17+$0x0], $0xffff  }
0x216: {  	v17 =	vor.u32 $0x80, v1;
	v8 =	vand.u32 $0x7F, v8;
	v2 =	vand.u32 $0xFFFFFC00, v2;
	[tilespmem:s7+$0x180] =	vst v10;
	v10 =	vld.idx.msk [tilespmem:v11+s17+$0x0], $0xffff  }
0x217: {  	v2 =	vor.u32 v8, v2;
	v8 =	vld [tilespmem:s25+$0x0]  }
0x218: {  	v11 =	vor.u32 $0x300, v5;
	v13 =	vld.idx.msk [tilespmem:v13+s17+$0x0], $0xffff;
	[tilespmem:s16+$0x100] =	vst v12  }
0x219: {  	s3 =	sor.u32 s21, s14;
	[tilespmem:s2+$0x80] =	vst v14;
	v12 =	vor.u32 $0x300, v6;
	v14 =	vld.idx.msk [tilespmem:v16+s17+$0x0], $0xffff  }
0x21a: {  	v7 =	vld.idx.msk [tilespmem:v7+s17+$0x0], $0xffff;
	[tilespmem:s3+$0x0] =	vst v15  }
0x21b: {  	s14 =	simm.s32 $0x80;
	v16 =	vor.u32 $0x200, v4;
	v15 =	vld.idx.msk [tilespmem:v17+s17+$0x0], $0xffff  }
0x21c: {  	s30 =	sand.u32 $0x60, s14;
	v18 =	vor.u32 $0x180, v0;
	v17 =	vld.idx.msk [tilespmem:v2+s17+$0x0], $0xffff;
	[tilespmem:s6+$0x280] =	vst v10  }
0x21d: {  	s15 =	sand.u32 $0x780, s14;
	s24 =	sor.u32 $0x10, s30;
	[tilespmem:s10+$0x280] =	vst v9;
	v9 =	vor.u32 $0x100, v1;
	v10 =	vld.idx.msk [tilespmem:v11+s17+$0x0], $0xffff  }
0x21e: {  	s21 =	sand.u32 $0x3, s9;
	s9 =	simm.s32 $0x300;
	s1 =	sor.u32 s24, s15;
	v11 =	vor.u32 $0x80, v2;
	v12 =	vld.idx.msk [tilespmem:v12+s17+$0x0], $0xffff  }
0x21f: {  	v20 =	vor.u32 $0x380, v5;
	s22 =	sand.u32 $0x3C00, s9;
	s4 =	sshll.u32 s21, $0x5;
	v19 =	vshll.u32 v8, $0x3;
	[tilespmem:s16+$0x180] =	vst v14;
	v14 =	vld [tilespmem:s1+$0x0]  }
0x220: {  	s28 =	sadd.s32 $0xC800, s22;
	s13 =	sadd.s32 $0x0, s4;
	v6 =	vor.u32 $0x380, v6;
	v8 =	vand.u32 $0x7F, v8;
	v5 =	vand.u32 $0xFFFFFC00, v19;
	[tilespmem:s2+$0x100] =	vst v7;
	v19 =	vld.idx.msk [tilespmem:v16+s17+$0x0], $0xffff  }
0x221: {  	s12 =	sor.u32 s31, s28;
	v5 =	vor.u32 v8, v5;
	s1 =	sadd.s32 $0x10, s13;
	v21 =	vld.idx.msk [tilespmem:v18+s17+$0x0], $0xffff;
	[tilespmem:s3+$0x80] =	vst v15  }
0x222: {  	s23 =	sor.u32 $0x300, s1;
	[tilespmem:s12+$0x0] =	vst v17;
	v8 =	vld.idx.msk [tilespmem:v9+s17+$0x0], $0xffff;
	v17 =	vor.u32 $0x280, v4  }
0x223: {  	s25 =	sor.u32 $0x300, s13;
	v7 =	vor.u32 $0x280, v3;
	v11 =	vld.idx.msk [tilespmem:v11+s17+$0x0], $0xffff;
	[tilespmem:s23+$0xC800] =	vst v10  }
0x224: {  	v9 =	vor.u32 $0x200, v0;
	[tilespmem:s25+$0xC800] =	vst v12;
	v16 =	vld.idx.msk [tilespmem:v20+s17+$0x0], $0xffff  }
0x225: {  	s29 =	simm.s32 $0x2;
	[tilespmem:s7+$0x200] =	vst v13;
	v15 =	vld.idx.msk [tilespmem:v6+s17+$0x0], $0xffff;
	v12 =	vshll.u32 v14, $0x3  }
0x226: {  	s11 =	simm.s32 $0xA0;
	s15 =	simm.s32 $0x400;
	s31 =	simm.s32 $0x1;
	v6 =	vand.u32 $0x7F, v14;
	v14 =	vld.idx.msk [tilespmem:v5+s17+$0x0], $0xffff;
	[tilespmem:s16+$0x200] =	vst v19;
	v18 =	vand.u32 $0xFFFFFC00, v12;
	v12 =	vor.u32 $0x180, v1  }
0x227: {  	s22 =	sand.u32 $0x3, s31;
	s10 =	simm.s32 $0x8;
	s6 =	simm.s32 $0xA0;
	v13 =	vor.u32 $0x100, v2;
	v10 =	vor.u32 $0x80, v5;
	[tilespmem:s2+$0x180] =	vst v21;
	v17 =	vld.idx.msk [tilespmem:v17+s17+$0x0], $0xffff  }
.LBB2_15:
0x228: {  	s21 =	sand.u32 $0x60, s6;
	s10 =	sadd.s32 $0x2, s10;
	[tilespmem:s3+$0x100] =	vst v8;
	v7 =	vld.idx.msk [tilespmem:v7+s17+$0x0], $0xffff;
	s13 =	sor.u32 $0x380, s13  }
0x229: {  	s23 =	sand.u32 $0x780, s6;
	v6 =	vor.u32 v6, v18;
	s1 =	sor.u32 $0x380, s1;
	s4 =	sor.u32 $0x10, s21;
	[tilespmem:s12+$0x80] =	vst v11;
	v8 =	vld.idx.msk [tilespmem:v9+s17+$0x0], $0xffff  }
0x22a: {  	s25 =	sand.u32 $0x3, s29;
	v18 =	vor.u32 $0x300, v3;
	p0 =	slt.u32 s10, $0x7E;
	v11 =	vor.u32 $0x300, v4;
	s23 =	sor.u32 s4, s23;
	v9 =	vld [tilespmem:s14+$0x0];
	[tilespmem:s1+$0xC800] =	vst v16  }
0x22b: {  	s1 =	sor.u32 s20, s28;
	s20 =	smov.u32 s30;
	s30 =	smov.u32 s21;
	v12 =	vld.idx.msk [tilespmem:v12+s17+$0x0], $0xffff;
	[tilespmem:s13+$0xC800] =	vst v15  }
0x22c: {  	s14 =	smov.u32 s11;
	[tilespmem:s1+$0x0] =	vst v14;
	v13 =	vld.idx.msk [tilespmem:v13+s17+$0x0], $0xffff  }
0x22d: {  	v14 =	vor.u32 $0x200, v1;
	v10 =	vld.idx.msk [tilespmem:v10+s17+$0x0], $0xffff;
	[tilespmem:s16+$0x280] =	vst v17;
	s16 =	smov.u32 s3;
	s3 =	smov.u32 s1  }
0x22e: {  	v16 =	vor.u32 $0x180, v2;
	v15 =	vld.idx.msk [tilespmem:v6+s17+$0x0], $0xffff;
	[tilespmem:s7+$0x280] =	vst v7;
	s7 =	smov.u32 s2;
	s2 =	smov.u32 s12  }
0x22f: {  	v17 =	vor.u32 $0x100, v5;
	v7 =	vshll.u32 v9, $0x3;
	[tilespmem:s7+$0x200] =	vst v8;
	v18 =	vld.idx.msk [tilespmem:v18+s17+$0x0], $0xffff  }
0x230: {  	v19 =	vor.u32 $0x80, v6;
	v7 =	vand.u32 $0xFFFFFC00, v7;
	v20 =	vld.idx.msk [tilespmem:v11+s17+$0x0], $0xffff  }
0x231: {  	v22 =	vor.u32 $0x380, v3;
	v3 =	vmovc v0;
	v0 =	vmovc v2;
	v2 =	vmov v6;
	s1 =	sand.u32 $0x3C00, s15;
	s12 =	sshll.u32 s22, $0x5;
	s22 =	smov.u32 s25;
	v21 =	vld [tilespmem:s23+$0x0];
	[tilespmem:s16+$0x180] =	vst v12;
	v12 =	vor.u32 $0x380, v4  }
0x232: {  	s28 =	sadd.s32 $0xC800, s1;
	v6 =	vand.u32 $0x7F, v9;
	s13 =	sadd.s32 s12, s8;
	s8 =	smov.u32 s0;
	v4 =	vmov v1;
	v1 =	vmov v5;
	[tilespmem:s2+$0x100] =	vst v13;
	v13 =	vld.idx.msk [tilespmem:v14+s17+$0x0], $0xffff  }
0x233: {  	s12 =	sor.u32 s24, s28;
	s24 =	smov.u32 s4;
	s1 =	sadd.s32 $0x10, s13;
	v5 =	vor.u32 v6, v7;
	[tilespmem:s3+$0x80] =	vst v10;
	v23 =	vld.idx.msk [tilespmem:v16+s17+$0x0], $0xffff  }
0x234: {  	s0 =	smov.u32 s9;
	s4 =	sor.u32 $0x300, s13;
	s21 =	sor.u32 $0x300, s1;
	v10 =	vor.u32 $0x80, v5;
	[tilespmem:s12+$0x0] =	vst v15;
	v8 =	vld.idx.msk [tilespmem:v17+s17+$0x0], $0xffff;
	v17 =	vor.u32 $0x280, v4  }
.Ltmp8:
0x235: {  	s9 =	smov.u32 s15;
	v7 =	vor.u32 $0x280, v3;
	v11 =	vld.idx.msk [tilespmem:v19+s17+$0x0], $0xffff;
	[tilespmem:s21+$0xC800] =	vst v18;
	(pc) =	sbr.rel @p0 .LBB2_15-.Ltmp8, $4  }
0x236: {  	v9 =	vor.u32 $0x200, v0;
	v6 =	vand.u32 $0x7F, v21;
	v14 =	vshll.u32 v21, $0x3;
	[tilespmem:s4+$0xC800] =	vst v20;
	v16 =	vld.idx.msk [tilespmem:v22+s17+$0x0], $0xffff  }
0x237: {  	v18 =	vand.u32 $0xFFFFFC00, v14;
	v15 =	vld.idx.msk [tilespmem:v12+s17+$0x0], $0xffff  }
0x238: {  	s29 =	sadd.s32 $0x1, s29;
	v12 =	vor.u32 $0x180, v1;
	v14 =	vld.idx.msk [tilespmem:v5+s17+$0x0], $0xffff;
	[tilespmem:s16+$0x200] =	vst v13  }
0x239: {  	s6 =	sadd.s32 $0x20, s6;
	s11 =	sadd.s32 $0x20, s11;
	s15 =	sadd.s32 $0x100, s15;
	v13 =	vor.u32 $0x100, v2;
	[tilespmem:s2+$0x180] =	vst v23;
	v17 =	vld.idx.msk [tilespmem:v17+s17+$0x0], $0xffff  }
0x23a: {  	v19 =	vld [tilespmem:s14+$0x0];
	_ =	sdelay $0x4  }
0x23b: {  	v20 =	vshll.u32 v19, $0x3  }
0x23c: {  	v6 =	vor.u32 v6, v18;
	v19 =	vand.u32 $0x7F, v19;
	v57 =	vand.u32 $0xFFFFFC00, v20  }
0x23d: {  	v58 =	vld.idx.msk [tilespmem:v7+s17+$0x0], $0xffff;
	v7 =	vor.u32 v19, v57;
	_ =	sdelay $0x3  }
0x23e: {  	v59 =	vor.u32 $0x300, v3;
	[tilespmem:s12+$0x80] =	vst v11;
	v61 =	vld.idx.msk [tilespmem:v6+s17+$0x0], $0xffff  }
0x23f: {  	s1 =	sor.u32 $0x380, s1;
	[tilespmem:s3+$0x100] =	vst v8;
	v62 =	vor.u32 $0x80, v6;
	v21 =	vld.idx.msk [tilespmem:v7+s17+$0x0], $0xffff  }
0x240: {  	s4 =	sand.u32 $0x3C00, s15;
	s21 =	sor.u32 s20, s28;
	[tilespmem:s1+$0xC800] =	vst v16;
	v22 =	vor.u32 $0x80, v7  }
0x241: {  	s4 =	sadd.s32 $0xC800, s4;
	[tilespmem:s21+$0x0] =	vst v14  }
0x242: {  	v60 =	vor.u32 $0x300, v4;
	s23 =	sor.u32 s24, s4;
	v10 =	vld.idx.msk [tilespmem:v10+s17+$0x0], $0xffff;
	[tilespmem:s7+$0x280] =	vst v58  }
0x243: {  	v25 =	vor.u32 $0x100, v5;
	s24 =	sor.u32 s30, s4;
	v63 =	vld.idx.msk [tilespmem:v59+s17+$0x0], $0xffff;
	[tilespmem:s23+$0x0] =	vst v61  }
0x244: {  	s14 =	sor.u32 $0x380, s13;
	s6 =	sshll.u32 s22, $0x5;
	v24 =	vor.u32 $0x380, v3;
	v16 =	vld.idx.msk [tilespmem:v62+s17+$0x0], $0xffff;
	[tilespmem:s24+$0x0] =	vst v21  }
0x245: {  	s8 =	sadd.s32 s6, s8;
	v26 =	vor.u32 $0x100, v6;
	[tilespmem:s14+$0xC800] =	vst v15;
	v18 =	vld.idx.msk [tilespmem:v22+s17+$0x0], $0xffff  }
0x246: {  	v11 =	vld.idx.msk [tilespmem:v13+s17+$0x0], $0xffff;
	s10 =	sadd.s32 $0x10, s8;
	[tilespmem:s16+$0x280] =	vst v17;
	v27 =	vor.u32 $0x100, v7  }
0x247: {  	s25 =	sor.u32 $0x300, s10;
	v23 =	vld.idx.msk [tilespmem:v60+s17+$0x0], $0xffff;
	[tilespmem:s21+$0x80] =	vst v10  }
0x248: {  	v29 =	vor.u32 $0x180, v2;
	v30 =	vld.idx.msk [tilespmem:v25+s17+$0x0], $0xffff;
	[tilespmem:s25+$0xC800] =	vst v63  }
0x249: {  	v28 =	vor.u32 $0x380, v4;
	v3 =	vld.idx.msk [tilespmem:v24+s17+$0x0], $0xffff;
	[tilespmem:s23+$0x80] =	vst v16  }
0x24a: {  	v31 =	vor.u32 $0x180, v5;
	v16 =	vld.idx.msk [tilespmem:v26+s17+$0x0], $0xffff;
	[tilespmem:s24+$0x80] =	vst v18  }
0x24b: {  	v32 =	vor.u32 $0x180, v6;
	s28 =	sor.u32 $0x300, s8;
	[tilespmem:s12+$0x100] =	vst v11;
	v15 =	vld.idx.msk [tilespmem:v27+s17+$0x0], $0xffff  }
0x24c: {  	v12 =	vld.idx.msk [tilespmem:v12+s17+$0x0], $0xffff;
	v33 =	vor.u32 $0x180, v7;
	[tilespmem:s28+$0xC800] =	vst v23  }
0x24d: {  	s30 =	sor.u32 $0x380, s10;
	v10 =	vld.idx.msk [tilespmem:v29+s17+$0x0], $0xffff;
	[tilespmem:s21+$0x100] =	vst v30  }
0x24e: {  	v34 =	vor.u32 $0x200, v1;
	v4 =	vld.idx.msk [tilespmem:v28+s17+$0x0], $0xffff;
	[tilespmem:s30+$0xC800] =	vst v3  }
0x24f: {  	v35 =	vor.u32 $0x200, v2;
	v14 =	vld.idx.msk [tilespmem:v31+s17+$0x0], $0xffff;
	[tilespmem:s23+$0x100] =	vst v16  }
0x250: {  	v36 =	vor.u32 $0x200, v5;
	v3 =	vld.idx.msk [tilespmem:v32+s17+$0x0], $0xffff;
	[tilespmem:s24+$0x100] =	vst v15  }
0x251: {  	v37 =	vor.u32 $0x200, v6;
	[tilespmem:s3+$0x180] =	vst v12;
	v8 =	vld.idx.msk [tilespmem:v33+s17+$0x0], $0xffff  }
0x252: {  	v9 =	vld.idx.msk [tilespmem:v9+s17+$0x0], $0xffff;
	s31 =	sor.u32 $0x380, s8;
	v38 =	vor.u32 $0x200, v7;
	[tilespmem:s12+$0x180] =	vst v10  }
0x253: {  	v39 =	vor.u32 $0x280, v0;
	v11 =	vld.idx.msk [tilespmem:v34+s17+$0x0], $0xffff;
	[tilespmem:s31+$0xC800] =	vst v4  }
0x254: {  	v40 =	vor.u32 $0x280, v1;
	v13 =	vld.idx.msk [tilespmem:v35+s17+$0x0], $0xffff;
	[tilespmem:s21+$0x180] =	vst v14  }
0x255: {  	v41 =	vor.u32 $0x280, v2;
	v14 =	vld.idx.msk [tilespmem:v36+s17+$0x0], $0xffff;
	[tilespmem:s23+$0x180] =	vst v3  }
0x256: {  	v42 =	vor.u32 $0x280, v5;
	v4 =	vld.idx.msk [tilespmem:v37+s17+$0x0], $0xffff;
	[tilespmem:s24+$0x180] =	vst v8  }
0x257: {  	v43 =	vor.u32 $0x280, v6;
	[tilespmem:s2+$0x200] =	vst v9;
	v8 =	vld.idx.msk [tilespmem:v38+s17+$0x0], $0xffff  }
0x258: {  	v44 =	vld.idx.msk [tilespmem:v39+s17+$0x0], $0xffff;
	v45 =	vor.u32 $0x280, v7;
	[tilespmem:s3+$0x200] =	vst v11  }
0x259: {  	v46 =	vor.u32 $0x300, v0;
	v10 =	vld.idx.msk [tilespmem:v40+s17+$0x0], $0xffff;
	[tilespmem:s12+$0x200] =	vst v13  }
0x25a: {  	v47 =	vor.u32 $0x300, v1;
	v48 =	vld.idx.msk [tilespmem:v41+s17+$0x0], $0xffff;
	[tilespmem:s21+$0x200] =	vst v14  }
0x25b: {  	v49 =	vor.u32 $0x300, v2;
	v3 =	vld.idx.msk [tilespmem:v42+s17+$0x0], $0xffff;
	[tilespmem:s23+$0x200] =	vst v4  }
0x25c: {  	v50 =	vor.u32 $0x300, v5;
	v51 =	vld.idx.msk [tilespmem:v43+s17+$0x0], $0xffff;
	[tilespmem:s24+$0x200] =	vst v8  }
0x25d: {  	v53 =	vor.u32 $0x300, v6;
	[tilespmem:s2+$0x280] =	vst v44;
	v52 =	vld.idx.msk [tilespmem:v45+s17+$0x0], $0xffff  }
0x25e: {  	v55 =	vor.u32 $0x300, v7;
	v54 =	vld.idx.msk [tilespmem:v46+s17+$0x0], $0xffff;
	[tilespmem:s3+$0x280] =	vst v10;
	s3 =	sand.u32 $0x3, s29  }
0x25f: {  	v56 =	vor.u32 $0x380, v0;
	s4 =	sadd.s32 $0x1, s29;
	v13 =	vld.idx.msk [tilespmem:v47+s17+$0x0], $0xffff;
	s2 =	sshll.u32 s3, $0x5;
	[tilespmem:s12+$0x280] =	vst v48  }
0x260: {  	s8 =	sand.u32 $0x3, s4;
	v57 =	vor.u32 $0x380, v1;
	s0 =	sadd.s32 s2, s0;
	v58 =	vld.idx.msk [tilespmem:v49+s17+$0x0], $0xffff;
	[tilespmem:s21+$0x280] =	vst v3  }
0x261: {  	s1 =	sshll.u32 s8, $0x5;
	v59 =	vor.u32 $0x380, v2;
	s3 =	sadd.s32 $0x1, s4;
	s2 =	sadd.s32 $0x10, s0;
	v4 =	vld.idx.msk [tilespmem:v50+s17+$0x0], $0xffff;
	[tilespmem:s23+$0x280] =	vst v51  }
0x262: {  	s1 =	sadd.s32 s1, s9;
	v60 =	vor.u32 $0x380, v5;
	s3 =	sand.u32 $0x3, s3;
	s10 =	sor.u32 $0x300, s2;
	v8 =	vld.idx.msk [tilespmem:v53+s17+$0x0], $0xffff;
	[tilespmem:s24+$0x280] =	vst v52  }
0x263: {  	v6 =	vor.u32 $0x380, v6;
	s11 =	sor.u32 $0x300, s0;
	s3 =	sshll.u32 s3, $0x5;
	[tilespmem:s10+$0xC800] =	vst v54;
	s12 =	sadd.s32 $0x10, s1;
	v9 =	vld.idx.msk [tilespmem:v55+s17+$0x0], $0xffff  }
0x264: {  	v7 =	vor.u32 $0x380, v7;
	s3 =	sadd.s32 s3, s15;
	[tilespmem:s11+$0xC800] =	vst v13;
	v0 =	vld.idx.msk [tilespmem:v56+s17+$0x0], $0xffff;
	s13 =	sor.u32 $0x300, s12  }
0x265: {  	s14 =	sor.u32 $0x300, s1;
	s15 =	sadd.s32 $0x10, s3;
	v1 =	vld.idx.msk [tilespmem:v57+s17+$0x0], $0xffff;
	[tilespmem:s13+$0xC800] =	vst v58  }
0x266: {  	s16 =	sor.u32 $0x300, s15;
	v2 =	vld.idx.msk [tilespmem:v59+s17+$0x0], $0xffff;
	[tilespmem:s14+$0xC800] =	vst v4  }
0x267: {  	s20 =	sor.u32 $0x300, s3;
	v61 =	vld.idx.msk [tilespmem:v60+s17+$0x0], $0xffff;
	[tilespmem:s16+$0xC800] =	vst v8  }
0x268: {  	s2 =	sor.u32 $0x380, s2;
	v62 =	vld.idx.msk [tilespmem:v6+s17+$0x0], $0xffff;
	[tilespmem:s20+$0xC800] =	vst v9  }
0x269: {  	s0 =	sor.u32 $0x380, s0;
	[tilespmem:s2+$0xC800] =	vst v0;
	v63 =	vld.idx.msk [tilespmem:v7+s17+$0x0], $0xffff  }
0x26a: {  	[tilespmem:s0+$0xC800] =	vst v1;
	s21 =	sor.u32 $0x380, s12  }
0x26b: {  	s22 =	sor.u32 $0x380, s1;
	[tilespmem:s21+$0xC800] =	vst v2  }
0x26c: {  	s23 =	sor.u32 $0x380, s15;
	[tilespmem:s22+$0xC800] =	vst v61  }
0x26d: {  	s24 =	sor.u32 $0x380, s3;
	[tilespmem:s23+$0xC800] =	vst v62  }
0x26e: {  	[tilespmem:s24+$0xC800] =	vst v63  }
0x26f: {  	s25 =	simm.s32 $0xC800;
	s0 =	rddreg [dreg:$0xd]  }
0x270: {  	[hbm4b:s0+s5] =	stream.linear.scatter [tilespmem:s25], [sflag:$0x4], $0x4000, $0x38;
	[tilespmem:$0x18800] =	vst v63  }
0x271: {  	_ =	swait.ge [sflag:s26], $0x4000  }
0x272: {  	[sflag:s26] =	ssyncset.done $0x0  }
0x273: {  	s28 =	simm.s32 $0x5;
	[sflag:s26] =	ssyncadd.s32 $0xFFFFC000  }
0x274: {  	_ =	swait.ge [sflag:s28], $0x4000  }
0x275: {  	[sflag:s28] =	ssyncset.done $0x0  }
0x276: {  	s29 =	simm.s32 $0x6;
	[sflag:s28] =	ssyncadd.s32 $0xFFFFC000  }
0x277: {  	_ =	swait.ge [sflag:s29], $0x4000  }
0x278: {  	s30 =	rddreg [dreg:$0xf]  }
0x279: {  	s31 =	rddreg [dreg:$0xe];
	s2 =	sadd.s32 $0x1, s30  }
0x27a: {  	p0 =	sne.s32 s2, s31  }
.Ltmp9:
0x27b: {  	_ = 	snop;
	(pc) =	sbr.rel @p0 .LBB2_1-.Ltmp9, $3  }
0x27c: {  	_ =	sdelay $0x1  }
0x27d: {  	[sflag:s29] =	ssyncset.done $0x0  }
0x27e: {  	[sflag:s29] =	ssyncadd.s32 $0xFFFFC000  }
0x27f: {  	_ =	sfence.sel $0x180000  }
0x280: {  	[bflag:$0x0] =	sbarrier.arrive $0xFFFF  }
0x281: {  	_ =	strace $0x90000047  }
0x282: {  	s0 =	stileid.u32;
	[bflag:$0x2] =	sbarrier.arrive $0xFFFF  }
0x283: {  	p0 =	sne.s32 s0, $0x0;
	s0 =	rddreg [dreg:$0x3]  }
0x284: {  	s0 =	sadd.s32 @!p0 $0x100000, s0  }
0x285: {  	[sflag:s0] =	ssyncadd.tile.s32 @!p0 $0x1;
	_ =	shalt  }
.Lfunc_end2:
_tile_overlayer_lowered:
.L_overlay_start_2:
0x286: {  	(tag) =	ssettag $0x2  }
0x287: {  	s0 =	rddreg [dreg:$0x0];
	s2 =	stileid.u32  }
0x288: {  	s1 =	rddreg [dreg:$0x1];
	p0 =	sne.s32 s2, $0x0  }
0x289: {  	s3 =	rddreg [dreg:$0x2];
	[bflag:$0x3] =	sbarrier.arrive $0xFFFF;
	s2 =	simm.s32 @!p0 $0x1C07  }
0x28a: {  	[timem:s3], [sflag:s2] =	dma.local @!p0 [hbm:s0], s1  }
0x28b: {  	s0 =	simm.s32 @!p0 $0x7  }
0x28c: {  	_ =	swait.ge @!p0 [sflag:s0], s1  }
0x28d: {  	s1 =	ssub.s32 @!p0 $0x0, s1;
	[sflag:s0] =	ssyncset.done @!p0 $0x0  }
0x28e: {  	[sflag:s0] =	ssyncadd.s32 @!p0 s1  }
0x28f: {  	[bflag:$0x3] =	sbarrier.arrive $0xFFFF  }
0x290: {  	_ =	shalt  }

</sc_bundles>
